<compile_context>
chip_gen: v7x
topology: tpu7x:2x2x1
jax: 0.10.2.dev20260603
libtpu: 0.0.44.dev20260713+nightly
codegen_flags: <defaults>
</compile_context>

<pallas_src>
import functools

import jax
import jax.numpy as jnp
from jax import lax
from jax.experimental import pallas as pl
from jax.experimental.pallas import tpu as pltpu
from jax.experimental.pallas import tpu_sc as plsc

N_NODES = 10000
N_PAD = 10240
N_EDGES = 320000
CHUNK = 128
N_CHUNKS = 2560
E_PAD = N_CHUNKS * CHUNK
D_IN = 128
UNITS = 256
HALF = 128
N_GRAPHS = 256
N_CLASSES = 10
ROW_BLK = 512
N_ROW_BLKS = N_PAD // ROW_BLK
SUB_ROWS = N_PAD // 16

IDX_BLK = 32

ZERO_ROW = N_NODES
JUNK_ROW = N_NODES + 1


def _sc_degree_body(dst2d, ones_hbm, zeros_hbm, degp_out, onev, dstall, shared):
    c = lax.axis_index("c")
    s = lax.axis_index("s")
    r0 = s * SUB_ROWS
    per_worker = N_CHUNKS // 32
    base = (c * 16 + s) * per_worker
    pltpu.sync_copy(ones_hbm, onev)
    pltpu.sync_copy(dst2d.at[pl.ds(base, per_worker)], dstall)
    pltpu.sync_copy(zeros_hbm.at[pl.ds(r0, SUB_ROWS)], shared.at[pl.ds(r0, SUB_ROWS)])
    plsc.subcore_barrier()

    def step(k, carry):
        pltpu.sync_copy(onev, shared.at[dstall.at[k]], add=True)
        return carry

    lax.fori_loop(0, per_worker, step, 0)
    plsc.subcore_barrier()
    pltpu.sync_copy(shared.at[pl.ds(r0, SUB_ROWS)],
                    degp_out.at[pl.ds(c * N_PAD + r0, SUB_ROWS)])


def _sc_scatter_body(g_flat, src2d, dst2d, out, srcall, dstall, rows_a, rows_b,
                     shared, sem_a, sem_b):
    c = lax.axis_index("c")
    s = lax.axis_index("s")
    r0 = s * SUB_ROWS
    per_sub = N_CHUNKS // 16
    pltpu.sync_copy(g_flat.at[pl.ds(c * N_PAD + r0, SUB_ROWS)],
                    shared.at[pl.ds(r0, SUB_ROWS)])
    plsc.subcore_barrier()

    def outer(p, carry):
        base_s = c * N_CHUNKS + s * per_sub + p * IDX_BLK
        base_d = s * per_sub + p * IDX_BLK
        pltpu.sync_copy(src2d.at[pl.ds(base_s, IDX_BLK)], srcall)
        pltpu.sync_copy(dst2d.at[pl.ds(base_d, IDX_BLK)], dstall)
        pltpu.async_copy(g_flat.at[srcall.at[0]], rows_a, sem_a)

        def step(q, carry2):
            k0 = 2 * q
            pltpu.async_copy(g_flat.at[srcall.at[k0 + 1]], rows_b, sem_b)
            pltpu.make_async_copy(g_flat.at[srcall.at[k0]], rows_a, sem_a).wait()
            pltpu.sync_copy(rows_a, shared.at[dstall.at[k0]], add=True)

            @pl.when(k0 + 2 < IDX_BLK)
            def _():
                pltpu.async_copy(g_flat.at[srcall.at[k0 + 2]], rows_a, sem_a)

            pltpu.make_async_copy(g_flat.at[srcall.at[k0 + 1]], rows_b, sem_b).wait()
            pltpu.sync_copy(rows_b, shared.at[dstall.at[k0 + 1]], add=True)
            return carry2

        lax.fori_loop(0, IDX_BLK // 2, step, 0)
        return carry

    lax.fori_loop(0, per_sub // IDX_BLK, outer, 0)
    plsc.subcore_barrier()
    pltpu.sync_copy(shared.at[pl.ds(r0, SUB_ROWS)],
                    out.at[pl.ds(c * N_PAD + r0, SUB_ROWS)])


@functools.cache
def _sc_kernels():
    mesh = plsc.VectorSubcoreMesh(core_axis_name="c", subcore_axis_name="s",
                                  num_cores=2, num_subcores=16)
    sc_degree = pl.kernel(
        _sc_degree_body,
        out_type=jax.ShapeDtypeStruct((2 * N_PAD, 128), jnp.float32),
        mesh=mesh,
        scratch_types=[
            pltpu.VMEM((CHUNK, 128), jnp.float32),
            pltpu.VMEM((N_CHUNKS // 32, CHUNK), jnp.int32),
            pltpu.VMEM_SHARED((N_PAD, 128), jnp.float32),
        ],
    )
    sc_scatter = pl.kernel(
        _sc_scatter_body,
        out_type=jax.ShapeDtypeStruct((2 * N_PAD, HALF), jnp.float32),
        mesh=mesh,
        scratch_types=[
            pltpu.VMEM((IDX_BLK, CHUNK), jnp.int32),
            pltpu.VMEM((IDX_BLK, CHUNK), jnp.int32),
            pltpu.VMEM((CHUNK, HALF), jnp.float32),
            pltpu.VMEM((CHUNK, HALF), jnp.float32),
            pltpu.VMEM_SHARED((N_PAD, HALF), jnp.float32),
            pltpu.SemaphoreType.DMA,
            pltpu.SemaphoreType.DMA,
        ],
    )
    return sc_degree, sc_scatter



def _dinv_block(degp):
    return lax.rsqrt(1.0 + degp[0, :, 0:1] + degp[1, :, 0:1])


def _tc1a_body(x_ref, w_ref, out_ref):
    out_ref[...] = jnp.dot(x_ref[...], w_ref[...],
                           preferred_element_type=jnp.float32)


def _tc_matmul0(x_pad, W0):
    return pl.pallas_call(
        _tc1a_body,
        grid=(N_ROW_BLKS,),
        in_specs=[
            pl.BlockSpec((ROW_BLK, D_IN), lambda i: (i, 0)),
            pl.BlockSpec((D_IN, UNITS), lambda i: (0, 0)),
        ],
        out_specs=pl.BlockSpec((ROW_BLK, UNITS), lambda i: (i, 0)),
        out_shape=jax.ShapeDtypeStruct((N_PAD, UNITS), jnp.float32),
    )(x_pad, W0)


def _tc1b_body(h_ref, degp_ref, out_ref):
    dinv = _dinv_block(degp_ref[...])
    out_ref[...] = (h_ref[...] * dinv)[None]


def _tc_scale0(h0, degp):
    return pl.pallas_call(
        _tc1b_body,
        grid=(N_ROW_BLKS, 2),
        in_specs=[
            pl.BlockSpec((ROW_BLK, HALF), lambda i, j: (i, j)),
            pl.BlockSpec((2, ROW_BLK, 128), lambda i, j: (0, i, 0)),
        ],
        out_specs=pl.BlockSpec((1, ROW_BLK, HALF), lambda i, j: (j, i, 0)),
        out_shape=jax.ShapeDtypeStruct((2, N_PAD, HALF), jnp.float32),
    )(h0, degp)


def _tc2_body(a_ref, degp_ref, b_ref, w_ref, out_ref):
    dinv = _dinv_block(degp_ref[...])
    a = a_ref[...]
    u = jnp.concatenate([a[0], a[1]], axis=1)
    u = jnp.maximum(u * dinv + b_ref[...], 0.0)
    h = jnp.dot(u, w_ref[...], preferred_element_type=jnp.float32)
    out_ref[...] = (h * dinv)[None]


def _tc_layer1(a0, degp, b0r, W1):
    return pl.pallas_call(
        _tc2_body,
        grid=(N_ROW_BLKS, 2),
        in_specs=[
            pl.BlockSpec((2, ROW_BLK, HALF), lambda i, j: (0, i, 0)),
            pl.BlockSpec((2, ROW_BLK, 128), lambda i, j: (0, i, 0)),
            pl.BlockSpec((1, UNITS), lambda i, j: (0, 0)),
            pl.BlockSpec((UNITS, HALF), lambda i, j: (0, j)),
        ],
        out_specs=pl.BlockSpec((1, ROW_BLK, HALF), lambda i, j: (j, i, 0)),
        out_shape=jax.ShapeDtypeStruct((2, N_PAD, HALF), jnp.float32),
    )(a0, degp, b0r, W1)


def _tc3_body(a_ref, degp_ref, b_ref, gid_ref, wd_ref, bd_ref, out_ref,
              psum, cnt):
    i = pl.program_id(0)

    @pl.when(i == 0)
    def _():
        psum[...] = jnp.zeros_like(psum)
        cnt[...] = jnp.zeros_like(cnt)

    dinv = _dinv_block(degp_ref[...])
    a = a_ref[...]
    u = jnp.concatenate([a[0], a[1]], axis=1)
    u = jnp.maximum(u * dinv + b_ref[...], 0.0)
    mt = (lax.broadcasted_iota(jnp.int32, (N_GRAPHS, ROW_BLK), 0)
          == gid_ref[...]).astype(jnp.float32)
    psum[...] += jnp.dot(mt, u, preferred_element_type=jnp.float32)
    cnt[...] = cnt[...] + jnp.sum(mt, axis=1, keepdims=True)

    @pl.when(i == N_ROW_BLKS - 1)
    def _():
        pooled = psum[...] / jnp.maximum(cnt[:, 0:1], 1.0)
        out_ref[...] = (jnp.dot(pooled, wd_ref[...],
                                preferred_element_type=jnp.float32)
                        + bd_ref[...])


def _tc_pool_head(a1, degp, b1r, gid, wd_pad, bd_pad):
    return pl.pallas_call(
        _tc3_body,
        grid=(N_ROW_BLKS,),
        in_specs=[
            pl.BlockSpec((2, ROW_BLK, HALF), lambda i: (0, i, 0)),
            pl.BlockSpec((2, ROW_BLK, 128), lambda i: (0, i, 0)),
            pl.BlockSpec((1, UNITS), lambda i: (0, 0)),
            pl.BlockSpec((1, ROW_BLK), lambda i: (0, i)),
            pl.BlockSpec((UNITS, 128), lambda i: (0, 0)),
            pl.BlockSpec((1, 128), lambda i: (0, 0)),
        ],
        out_specs=pl.BlockSpec((N_GRAPHS, 128), lambda i: (0, 0)),
        out_shape=jax.ShapeDtypeStruct((N_GRAPHS, 128), jnp.float32),
        scratch_shapes=[
            pltpu.VMEM((N_GRAPHS, UNITS), jnp.float32),
            pltpu.VMEM((N_GRAPHS, 128), jnp.float32),
        ],
    )(a1, degp, b1r, gid, wd_pad, bd_pad)



def kernel(x, edge_index, node_graph_index, W0, b0, W1, b1, Wd, bd):
    f32 = jnp.float32
    i32 = jnp.int32
    src = edge_index[0].astype(i32)
    dst = edge_index[1].astype(i32)
    pad_e = E_PAD - N_EDGES
    src_pad = jnp.concatenate([src, jnp.full((pad_e,), ZERO_ROW, i32)])
    dst_pad = jnp.concatenate([dst, jnp.full((pad_e,), JUNK_ROW, i32)])
    dst2d = dst_pad.reshape(N_CHUNKS, CHUNK)
    src2d = jnp.stack([src_pad, src_pad + N_PAD]).reshape(2 * N_CHUNKS, CHUNK)
    x_pad = jnp.pad(x, ((0, N_PAD - N_NODES), (0, 0)))
    gid = jnp.pad(node_graph_index.astype(i32), (0, N_PAD - N_NODES),
                  constant_values=N_GRAPHS + 44).reshape(1, N_PAD)
    ones_rows = jnp.ones((CHUNK, 128), f32)
    zeros_rows = jnp.zeros((N_PAD, 128), f32)
    b0r = b0.reshape(1, UNITS)
    b1r = b1.reshape(1, UNITS)
    wd_pad = jnp.pad(Wd, ((0, 0), (0, 128 - N_CLASSES)))
    bd_pad = jnp.pad(bd, (0, 128 - N_CLASSES)).reshape(1, 128)

    sc_degree, sc_scatter = _sc_kernels()
    h0 = _tc_matmul0(x_pad, W0)
    degp = sc_degree(dst2d, ones_rows, zeros_rows).reshape(2, N_PAD, 128)
    g0 = _tc_scale0(h0, degp)
    a0 = sc_scatter(g0.reshape(2 * N_PAD, HALF), src2d, dst2d)
    g1 = _tc_layer1(a0.reshape(2, N_PAD, HALF), degp, b0r, W1)
    a1 = sc_scatter(g1.reshape(2 * N_PAD, HALF), src2d, dst2d)
    logits = _tc_pool_head(a1.reshape(2, N_PAD, HALF), degp, b1r, gid,
                           wd_pad, bd_pad)
    return logits[:, :N_CLASSES]

# --- scband reference (transcript-rebuilt; emitter-appended) ---
"""Pipeline reference for scband-mean-pool-network-47493748359654 (READ-ONLY COPY).

The authoritative reference and input builder live on the scoring server;
editing this copy changes nothing except your own understanding.
"""

import jax, jax.numpy as jnp
import numpy as np

NUM_NODES = 10000
NUM_EDGES = 320000
D_FEAT = 128
UNITS = 256
NUM_CLASSES = 10
NUM_GRAPHS = 256


def setup_inputs(seed: int = 0) -> dict:
    key = jax.random.key(seed)
    k = jax.random.split(key, 10)
    x = jax.random.normal(k[0], (NUM_NODES, D_FEAT), dtype=jnp.float32)
    edge_index = jax.random.randint(k[1], (2, NUM_EDGES), 0, NUM_NODES, dtype=jnp.int64)
    node_graph_index = jnp.sort(jax.random.randint(k[2], (NUM_NODES,), 0, NUM_GRAPHS, dtype=jnp.int64))
    W0 = jax.random.normal(k[3], (D_FEAT, UNITS), dtype=jnp.float32) * (1.0 / np.sqrt(D_FEAT))
    b0 = jnp.zeros((UNITS,), dtype=jnp.float32)
    W1 = jax.random.normal(k[4], (UNITS, UNITS), dtype=jnp.float32) * (1.0 / np.sqrt(UNITS))
    b1 = jnp.zeros((UNITS,), dtype=jnp.float32)
    Wd = jax.random.normal(k[5], (UNITS, NUM_CLASSES), dtype=jnp.float32) * (1.0 / np.sqrt(UNITS))
    bd = jnp.zeros((NUM_CLASSES,), dtype=jnp.float32)
    return {"x": x, "edge_index": edge_index, "node_graph_index": node_graph_index,
            "W0": W0, "b0": b0, "W1": W1, "b1": b1, "Wd": Wd, "bd": bd}


def _gcn_layer(h, src, dst, norm, W, b, num_nodes, activation=True):
    # tf_geometric GCN: renormalized adjacency (with self-loops) @ (h @ W) + b
    h = h @ W
    msgs = jnp.take(h, src, axis=0) * norm[:, None]
    out = jax.ops.segment_sum(msgs, dst, num_segments=num_nodes)
    out = out + b
    if activation:
        out = jax.nn.relu(out)
    return out


def reference(x, edge_index, node_graph_index, W0, b0, W1, b1, Wd, bd):
    num_nodes = x.shape[0]
    # add self loops (GCN renormalization trick)
    loops = jnp.arange(num_nodes, dtype=edge_index.dtype)
    src = jnp.concatenate([edge_index[0], loops])
    dst = jnp.concatenate([edge_index[1], loops])
    deg = jax.ops.segment_sum(jnp.ones_like(dst, dtype=jnp.float32), dst, num_segments=num_nodes)
    deg = jnp.maximum(deg, 1.0)
    dinv = jax.lax.rsqrt(deg)
    norm = jnp.take(dinv, src) * jnp.take(dinv, dst)
    h = _gcn_layer(x, src, dst, norm, W0, b0, num_nodes, activation=True)
    # dropout is identity at inference (training=None)
    h = _gcn_layer(h, src, dst, norm, W1, b1, num_nodes, activation=True)
    # mean pool over node_graph_index
    gid = jnp.reshape(node_graph_index, (-1,))
    summed = jax.ops.segment_sum(h, gid, num_segments=NUM_GRAPHS)
    counts = jax.ops.segment_sum(jnp.ones((num_nodes,), dtype=jnp.float32), gid, num_segments=NUM_GRAPHS)
    pooled = summed / jnp.maximum(counts, 1.0)[:, None]
    logits = pooled @ Wd + bd
    return logits

if __name__ == "__main__":
    import jax
    _d = setup_inputs()
    print(jax.jit(kernel)(*tuple(_d.values())))

</pallas_src>

<mosaic_0001>
#map = affine_map<(d0, d1) -> (0, 0)>
module attributes {stable_mosaic.version = 14 : i64} {
  func.func @_sc_degree_body(%arg0: i32, %arg1: i32, %arg2: memref<2560x128xi32, #tpu.memory_space<hbm>>, %arg3: memref<128x128xf32, #tpu.memory_space<hbm>>, %arg4: memref<10240x128xf32, #tpu.memory_space<hbm>>, %arg5: memref<20480x128xf32, #tpu.memory_space<hbm>>, %arg6: memref<128x128xf32, #tpu.memory_space<vmem>>, %arg7: memref<80x128xi32, #tpu.memory_space<vmem>>, %arg8: memref<10240x128xf32, #tpu.memory_space<vmem_shared>>) attributes {dimension_semantics = [#tpu.dimension_semantics<core_parallel>, #tpu.dimension_semantics<subcore_parallel>], iteration_bounds = array<i64: 2, 16>, scalar_prefetch = 0 : i64, scratch_operands = 3 : i64, tpu.core_type = #tpu.core_type<sc_vector_subcore>, window_params = [{transform_indices = #map}, {transform_indices = #map}, {transform_indices = #map}, {transform_indices = #map}]} {
    %mul3A = arith.constant 640 : i32
    %mul3A_0 = arith.muli %arg1, %mul3A : i32
    %mul3A_1 = arith.constant 16 : i32
    %mul3A_2 = arith.muli %arg0, %mul3A_1 : i32
    %add3A = arith.addi %mul3A_2, %arg1 : i32
    %mul3A_3 = arith.constant 80 : i32
    %mul3A_4 = arith.muli %add3A, %mul3A_3 : i32
    "tpu.region"() ({
      %run_scoped3A = tpu.sem_alloc : memref<!tpu.dma_semaphore, #tpu.memory_space<semaphore_mem>>
      tpu.enqueue_dma source(%arg3 : memref<128x128xf32, #tpu.memory_space<hbm>>) target(%arg6 : memref<128x128xf32, #tpu.memory_space<vmem>>) target_semaphore(%run_scoped3A : memref<!tpu.dma_semaphore, #tpu.memory_space<semaphore_mem>>)
      tpu.wait_dma2 semaphore(%run_scoped3A : memref<!tpu.dma_semaphore, #tpu.memory_space<semaphore_mem>>) src(%arg3 : memref<128x128xf32, #tpu.memory_space<hbm>>) dst(%arg6 : memref<128x128xf32, #tpu.memory_space<vmem>>)
      tpu.yield
    }) : () -> ()
    "tpu.region"() ({
      %run_scoped3A = tpu.sem_alloc : memref<!tpu.dma_semaphore, #tpu.memory_space<semaphore_mem>>
      %dma_start3A = arith.constant 0 : i32
      %dma_start3A_14 = tpu.memref_slice %arg2[%mul3A_4, %dma_start3A] : memref<2560x128xi32, #tpu.memory_space<hbm>> -> memref<80x128xi32, #tpu.memory_space<hbm>>
      %dma_start3A_15 = arith.constant 0 : i32
      %dma_start3A_16 = tpu.memref_slice %arg2[%mul3A_4, %dma_start3A_15] : memref<2560x128xi32, #tpu.memory_space<hbm>> -> memref<80x128xi32, #tpu.memory_space<hbm>>
      tpu.enqueue_dma source(%dma_start3A_16 : memref<80x128xi32, #tpu.memory_space<hbm>>) target(%arg7 : memref<80x128xi32, #tpu.memory_space<vmem>>) target_semaphore(%run_scoped3A : memref<!tpu.dma_semaphore, #tpu.memory_space<semaphore_mem>>)
      %dma_wait3A = arith.constant 0 : i32
      %dma_wait3A_17 = tpu.memref_slice %arg2[%mul3A_4, %dma_wait3A] : memref<2560x128xi32, #tpu.memory_space<hbm>> -> memref<80x128xi32, #tpu.memory_space<hbm>>
      %dma_wait3A_18 = arith.constant 0 : i32
      %dma_wait3A_19 = tpu.memref_slice %arg2[%mul3A_4, %dma_wait3A_18] : memref<2560x128xi32, #tpu.memory_space<hbm>> -> memref<80x128xi32, #tpu.memory_space<hbm>>
      tpu.wait_dma2 semaphore(%run_scoped3A : memref<!tpu.dma_semaphore, #tpu.memory_space<semaphore_mem>>) src(%dma_wait3A_19 : memref<80x128xi32, #tpu.memory_space<hbm>>) dst(%arg7 : memref<80x128xi32, #tpu.memory_space<vmem>>)
      tpu.yield
    }) : () -> ()
    "tpu.region"() ({
      %run_scoped3A = tpu.sem_alloc : memref<!tpu.dma_semaphore, #tpu.memory_space<semaphore_mem>>
      %dma_start3A = arith.constant 0 : i32
      %dma_start3A_14 = tpu.memref_slice %arg8[%mul3A_0, %dma_start3A] : memref<10240x128xf32, #tpu.memory_space<vmem_shared>> -> memref<640x128xf32, #tpu.memory_space<vmem_shared>>
      %dma_start3A_15 = arith.constant 0 : i32
      %dma_start3A_16 = tpu.memref_slice %arg4[%mul3A_0, %dma_start3A_15] : memref<10240x128xf32, #tpu.memory_space<hbm>> -> memref<640x128xf32, #tpu.memory_space<hbm>>
      tpu.enqueue_dma source(%dma_start3A_16 : memref<640x128xf32, #tpu.memory_space<hbm>>) target(%dma_start3A_14 : memref<640x128xf32, #tpu.memory_space<vmem_shared>>) target_semaphore(%run_scoped3A : memref<!tpu.dma_semaphore, #tpu.memory_space<semaphore_mem>>)
      %dma_wait3A = arith.constant 0 : i32
      %dma_wait3A_17 = tpu.memref_slice %arg8[%mul3A_0, %dma_wait3A] : memref<10240x128xf32, #tpu.memory_space<vmem_shared>> -> memref<640x128xf32, #tpu.memory_space<vmem_shared>>
      %dma_wait3A_18 = arith.constant 0 : i32
      %dma_wait3A_19 = tpu.memref_slice %arg4[%mul3A_0, %dma_wait3A_18] : memref<10240x128xf32, #tpu.memory_space<hbm>> -> memref<640x128xf32, #tpu.memory_space<hbm>>
      tpu.wait_dma2 semaphore(%run_scoped3A : memref<!tpu.dma_semaphore, #tpu.memory_space<semaphore_mem>>) src(%dma_wait3A_19 : memref<640x128xf32, #tpu.memory_space<hbm>>) dst(%dma_wait3A_17 : memref<640x128xf32, #tpu.memory_space<vmem_shared>>)
      tpu.yield
    }) : () -> ()
    %barrier3A = arith.constant 0 : index
    tpu.barrier barrier_id(%barrier3A)
    %scan3A = arith.constant 0 : i32
    %scan3A_5 = arith.constant 0 : i32
    %scan3A_6 = arith.constant 80 : i32
    %scan3A_7 = arith.addi %scan3A_5, %scan3A_6 : i32
    %scan3A_8 = arith.constant 1 : i32
    scf.for %scan3A_14 = %scan3A_5 to %scan3A_7 step %scan3A_8  : i32 {
      "tpu.region"() ({
        %run_scoped3A = tpu.sem_alloc : memref<!tpu.dma_semaphore, #tpu.memory_space<semaphore_mem>>
        %dma_start3A = arith.constant 0 : i32
        %dma_start3A_15 = tpu.memref_slice %arg7[%scan3A_14, %dma_start3A] : memref<80x128xi32, #tpu.memory_space<vmem>> -> memref<1x128xi32, #tpu.memory_space<vmem>>
        %dma_start3A_16 = tpu.memref_squeeze %dma_start3A_15 : memref<1x128xi32, #tpu.memory_space<vmem>> -> memref<128xi32, #tpu.memory_space<vmem>>
        %dma_start3A_17 = arith.constant 0 : i32
        %dma_start3A_18 = arith.constant 0 : i32
        %dma_start3A_19 = tpu.memref_slice %arg8[%dma_start3A_17, %dma_start3A_18] : memref<10240x128xf32, #tpu.memory_space<vmem_shared>> -> memref<10240x128xf32, #tpu.memory_space<vmem_shared>>
        tpu.enqueue_indirect_dma source(%arg6 : memref<128x128xf32, #tpu.memory_space<vmem>>) target(%dma_start3A_19 : memref<10240x128xf32, #tpu.memory_space<vmem_shared>>) offsets(%dma_start3A_16 : memref<128xi32, #tpu.memory_space<vmem>>) semaphore(%run_scoped3A : memref<!tpu.dma_semaphore, #tpu.memory_space<semaphore_mem>>) {add = true}
        %dma_wait3A = arith.constant 0 : i32
        %dma_wait3A_20 = tpu.memref_slice %arg7[%scan3A_14, %dma_wait3A] : memref<80x128xi32, #tpu.memory_space<vmem>> -> memref<1x128xi32, #tpu.memory_space<vmem>>
        %dma_wait3A_21 = tpu.memref_squeeze %dma_wait3A_20 : memref<1x128xi32, #tpu.memory_space<vmem>> -> memref<128xi32, #tpu.memory_space<vmem>>
        %dma_wait3A_22 = arith.constant 0 : i32
        %dma_wait3A_23 = arith.constant 0 : i32
        %dma_wait3A_24 = tpu.memref_slice %arg8[%dma_wait3A_22, %dma_wait3A_23] : memref<10240x128xf32, #tpu.memory_space<vmem_shared>> -> memref<10240x128xf32, #tpu.memory_space<vmem_shared>>
        tpu.wait_indirect_dma semaphore(%run_scoped3A : memref<!tpu.dma_semaphore, #tpu.memory_space<semaphore_mem>>) src(%arg6 : memref<128x128xf32, #tpu.memory_space<vmem>>) dst(%dma_wait3A_24 : memref<10240x128xf32, #tpu.memory_space<vmem_shared>>)
        tpu.yield
      }) : () -> ()
    }
    %scan3A_9 = arith.constant 80 : i32
    %barrier3A_10 = arith.constant 0 : index
    tpu.barrier barrier_id(%barrier3A_10)
    %mul3A_11 = arith.constant 10240 : i32
    %mul3A_12 = arith.muli %arg0, %mul3A_11 : i32
    %add3A_13 = arith.addi %mul3A_12, %mul3A_0 : i32
    "tpu.region"() ({
      %run_scoped3A = tpu.sem_alloc : memref<!tpu.dma_semaphore, #tpu.memory_space<semaphore_mem>>
      %dma_start3A = arith.constant 0 : i32
      %dma_start3A_14 = tpu.memref_slice %arg5[%add3A_13, %dma_start3A] : memref<20480x128xf32, #tpu.memory_space<hbm>> -> memref<640x128xf32, #tpu.memory_space<hbm>>
      %dma_start3A_15 = arith.constant 0 : i32
      %dma_start3A_16 = tpu.memref_slice %arg8[%mul3A_0, %dma_start3A_15] : memref<10240x128xf32, #tpu.memory_space<vmem_shared>> -> memref<640x128xf32, #tpu.memory_space<vmem_shared>>
      tpu.enqueue_dma source(%dma_start3A_16 : memref<640x128xf32, #tpu.memory_space<vmem_shared>>) target(%dma_start3A_14 : memref<640x128xf32, #tpu.memory_space<hbm>>) target_semaphore(%run_scoped3A : memref<!tpu.dma_semaphore, #tpu.memory_space<semaphore_mem>>)
      %dma_wait3A = arith.constant 0 : i32
      %dma_wait3A_17 = tpu.memref_slice %arg5[%add3A_13, %dma_wait3A] : memref<20480x128xf32, #tpu.memory_space<hbm>> -> memref<640x128xf32, #tpu.memory_space<hbm>>
      %dma_wait3A_18 = arith.constant 0 : i32
      %dma_wait3A_19 = tpu.memref_slice %arg8[%mul3A_0, %dma_wait3A_18] : memref<10240x128xf32, #tpu.memory_space<vmem_shared>> -> memref<640x128xf32, #tpu.memory_space<vmem_shared>>
      tpu.wait_dma2 semaphore(%run_scoped3A : memref<!tpu.dma_semaphore, #tpu.memory_space<semaphore_mem>>) src(%dma_wait3A_19 : memref<640x128xf32, #tpu.memory_space<vmem_shared>>) dst(%dma_wait3A_17 : memref<640x128xf32, #tpu.memory_space<hbm>>)
      tpu.yield
    }) : () -> ()
    return
  }
}

#map = affine_map<(d0, d1) -> (0, 0)>
module attributes {stable_mosaic.version = 14 : i64} {
  func.func @_sc_scatter_body(%arg0: i32, %arg1: i32, %arg2: memref<20480x128xf32, #tpu.memory_space<hbm>>, %arg3: memref<5120x128xi32, #tpu.memory_space<hbm>>, %arg4: memref<2560x128xi32, #tpu.memory_space<hbm>>, %arg5: memref<20480x128xf32, #tpu.memory_space<hbm>>, %arg6: memref<32x128xi32, #tpu.memory_space<vmem>>, %arg7: memref<32x128xi32, #tpu.memory_space<vmem>>, %arg8: memref<128x128xf32, #tpu.memory_space<vmem>>, %arg9: memref<128x128xf32, #tpu.memory_space<vmem>>, %arg10: memref<10240x128xf32, #tpu.memory_space<vmem_shared>>, %arg11: memref<!tpu.dma_semaphore, #tpu.memory_space<semaphore_mem>>, %arg12: memref<!tpu.dma_semaphore, #tpu.memory_space<semaphore_mem>>) attributes {dimension_semantics = [#tpu.dimension_semantics<core_parallel>, #tpu.dimension_semantics<subcore_parallel>], iteration_bounds = array<i64: 2, 16>, scalar_prefetch = 0 : i64, scratch_operands = 7 : i64, tpu.core_type = #tpu.core_type<sc_vector_subcore>, window_params = [{transform_indices = #map}, {transform_indices = #map}, {transform_indices = #map}, {transform_indices = #map}]} {
    %mul3A = arith.constant 640 : i32
    %mul3A_0 = arith.muli %arg1, %mul3A : i32
    %mul3A_1 = arith.constant 10240 : i32
    %mul3A_2 = arith.muli %arg0, %mul3A_1 : i32
    %add3A = arith.addi %mul3A_2, %mul3A_0 : i32
    "tpu.region"() ({
      %run_scoped3A = tpu.sem_alloc : memref<!tpu.dma_semaphore, #tpu.memory_space<semaphore_mem>>
      %dma_start3A = arith.constant 0 : i32
      %dma_start3A_12 = tpu.memref_slice %arg10[%mul3A_0, %dma_start3A] : memref<10240x128xf32, #tpu.memory_space<vmem_shared>> -> memref<640x128xf32, #tpu.memory_space<vmem_shared>>
      %dma_start3A_13 = arith.constant 0 : i32
      %dma_start3A_14 = tpu.memref_slice %arg2[%add3A, %dma_start3A_13] : memref<20480x128xf32, #tpu.memory_space<hbm>> -> memref<640x128xf32, #tpu.memory_space<hbm>>
      tpu.enqueue_dma source(%dma_start3A_14 : memref<640x128xf32, #tpu.memory_space<hbm>>) target(%dma_start3A_12 : memref<640x128xf32, #tpu.memory_space<vmem_shared>>) target_semaphore(%run_scoped3A : memref<!tpu.dma_semaphore, #tpu.memory_space<semaphore_mem>>)
      %dma_wait3A = arith.constant 0 : i32
      %dma_wait3A_15 = tpu.memref_slice %arg10[%mul3A_0, %dma_wait3A] : memref<10240x128xf32, #tpu.memory_space<vmem_shared>> -> memref<640x128xf32, #tpu.memory_space<vmem_shared>>
      %dma_wait3A_16 = arith.constant 0 : i32
      %dma_wait3A_17 = tpu.memref_slice %arg2[%add3A, %dma_wait3A_16] : memref<20480x128xf32, #tpu.memory_space<hbm>> -> memref<640x128xf32, #tpu.memory_space<hbm>>
      tpu.wait_dma2 semaphore(%run_scoped3A : memref<!tpu.dma_semaphore, #tpu.memory_space<semaphore_mem>>) src(%dma_wait3A_17 : memref<640x128xf32, #tpu.memory_space<hbm>>) dst(%dma_wait3A_15 : memref<640x128xf32, #tpu.memory_space<vmem_shared>>)
      tpu.yield
    }) : () -> ()
    %barrier3A = arith.constant 0 : index
    tpu.barrier barrier_id(%barrier3A)
    %scan3A = arith.constant 0 : i32
    %scan3A_3 = arith.constant 0 : i32
    %scan3A_4 = arith.constant 5 : i32
    %scan3A_5 = arith.addi %scan3A_3, %scan3A_4 : i32
    %scan3A_6 = arith.constant 1 : i32
    scf.for %scan3A_12 = %scan3A_3 to %scan3A_5 step %scan3A_6  : i32 {
      %mul3A_13 = arith.constant 2560 : i32
      %mul3A_14 = arith.muli %arg0, %mul3A_13 : i32
      %mul3A_15 = arith.constant 160 : i32
      %mul3A_16 = arith.muli %arg1, %mul3A_15 : i32
      %add3A_17 = arith.addi %mul3A_14, %mul3A_16 : i32
      %mul3A_18 = arith.constant 32 : i32
      %mul3A_19 = arith.muli %scan3A_12, %mul3A_18 : i32
      %add3A_20 = arith.addi %add3A_17, %mul3A_19 : i32
      %mul3A_21 = arith.constant 160 : i32
      %mul3A_22 = arith.muli %arg1, %mul3A_21 : i32
      %mul3A_23 = arith.constant 32 : i32
      %mul3A_24 = arith.muli %scan3A_12, %mul3A_23 : i32
      %add3A_25 = arith.addi %mul3A_22, %mul3A_24 : i32
      "tpu.region"() ({
        %run_scoped3A = tpu.sem_alloc : memref<!tpu.dma_semaphore, #tpu.memory_space<semaphore_mem>>
        %dma_start3A_38 = arith.constant 0 : i32
        %dma_start3A_39 = tpu.memref_slice %arg3[%add3A_20, %dma_start3A_38] : memref<5120x128xi32, #tpu.memory_space<hbm>> -> memref<32x128xi32, #tpu.memory_space<hbm>>
        %dma_start3A_40 = arith.constant 0 : i32
        %dma_start3A_41 = tpu.memref_slice %arg3[%add3A_20, %dma_start3A_40] : memref<5120x128xi32, #tpu.memory_space<hbm>> -> memref<32x128xi32, #tpu.memory_space<hbm>>
        tpu.enqueue_dma source(%dma_start3A_41 : memref<32x128xi32, #tpu.memory_space<hbm>>) target(%arg6 : memref<32x128xi32, #tpu.memory_space<vmem>>) target_semaphore(%run_scoped3A : memref<!tpu.dma_semaphore, #tpu.memory_space<semaphore_mem>>)
        %dma_wait3A = arith.constant 0 : i32
        %dma_wait3A_42 = tpu.memref_slice %arg3[%add3A_20, %dma_wait3A] : memref<5120x128xi32, #tpu.memory_space<hbm>> -> memref<32x128xi32, #tpu.memory_space<hbm>>
        %dma_wait3A_43 = arith.constant 0 : i32
        %dma_wait3A_44 = tpu.memref_slice %arg3[%add3A_20, %dma_wait3A_43] : memref<5120x128xi32, #tpu.memory_space<hbm>> -> memref<32x128xi32, #tpu.memory_space<hbm>>
        tpu.wait_dma2 semaphore(%run_scoped3A : memref<!tpu.dma_semaphore, #tpu.memory_space<semaphore_mem>>) src(%dma_wait3A_44 : memref<32x128xi32, #tpu.memory_space<hbm>>) dst(%arg6 : memref<32x128xi32, #tpu.memory_space<vmem>>)
        tpu.yield
      }) : () -> ()
      "tpu.region"() ({
        %run_scoped3A = tpu.sem_alloc : memref<!tpu.dma_semaphore, #tpu.memory_space<semaphore_mem>>
        %dma_start3A_38 = arith.constant 0 : i32
        %dma_start3A_39 = tpu.memref_slice %arg4[%add3A_25, %dma_start3A_38] : memref<2560x128xi32, #tpu.memory_space<hbm>> -> memref<32x128xi32, #tpu.memory_space<hbm>>
        %dma_start3A_40 = arith.constant 0 : i32
        %dma_start3A_41 = tpu.memref_slice %arg4[%add3A_25, %dma_start3A_40] : memref<2560x128xi32, #tpu.memory_space<hbm>> -> memref<32x128xi32, #tpu.memory_space<hbm>>
        tpu.enqueue_dma source(%dma_start3A_41 : memref<32x128xi32, #tpu.memory_space<hbm>>) target(%arg7 : memref<32x128xi32, #tpu.memory_space<vmem>>) target_semaphore(%run_scoped3A : memref<!tpu.dma_semaphore, #tpu.memory_space<semaphore_mem>>)
        %dma_wait3A = arith.constant 0 : i32
        %dma_wait3A_42 = tpu.memref_slice %arg4[%add3A_25, %dma_wait3A] : memref<2560x128xi32, #tpu.memory_space<hbm>> -> memref<32x128xi32, #tpu.memory_space<hbm>>
        %dma_wait3A_43 = arith.constant 0 : i32
        %dma_wait3A_44 = tpu.memref_slice %arg4[%add3A_25, %dma_wait3A_43] : memref<2560x128xi32, #tpu.memory_space<hbm>> -> memref<32x128xi32, #tpu.memory_space<hbm>>
        tpu.wait_dma2 semaphore(%run_scoped3A : memref<!tpu.dma_semaphore, #tpu.memory_space<semaphore_mem>>) src(%dma_wait3A_44 : memref<32x128xi32, #tpu.memory_space<hbm>>) dst(%arg7 : memref<32x128xi32, #tpu.memory_space<vmem>>)
        tpu.yield
      }) : () -> ()
      %dma_start3A = arith.constant 0 : i32
      %dma_start3A_26 = arith.constant 0 : i32
      %dma_start3A_27 = tpu.memref_slice %arg6[%dma_start3A, %dma_start3A_26] : memref<32x128xi32, #tpu.memory_space<vmem>> -> memref<1x128xi32, #tpu.memory_space<vmem>>
      %dma_start3A_28 = tpu.memref_squeeze %dma_start3A_27 : memref<1x128xi32, #tpu.memory_space<vmem>> -> memref<128xi32, #tpu.memory_space<vmem>>
      %dma_start3A_29 = arith.constant 0 : i32
      %dma_start3A_30 = arith.constant 0 : i32
      %dma_start3A_31 = tpu.memref_slice %arg2[%dma_start3A_29, %dma_start3A_30] : memref<20480x128xf32, #tpu.memory_space<hbm>> -> memref<20480x128xf32, #tpu.memory_space<hbm>>
      tpu.enqueue_indirect_dma source(%dma_start3A_31 : memref<20480x128xf32, #tpu.memory_space<hbm>>) target(%arg8 : memref<128x128xf32, #tpu.memory_space<vmem>>) offsets(%dma_start3A_28 : memref<128xi32, #tpu.memory_space<vmem>>) semaphore(%arg11 : memref<!tpu.dma_semaphore, #tpu.memory_space<semaphore_mem>>)
      %scan3A_32 = arith.constant 0 : i32
      %scan3A_33 = arith.constant 0 : i32
      %scan3A_34 = arith.constant 16 : i32
      %scan3A_35 = arith.addi %scan3A_33, %scan3A_34 : i32
      %scan3A_36 = arith.constant 1 : i32
      scf.for %scan3A_38 = %scan3A_33 to %scan3A_35 step %scan3A_36  : i32 {
        %mul3A_39 = arith.constant 2 : i32
        %mul3A_40 = arith.muli %mul3A_39, %scan3A_38 : i32
        %add3A_41 = arith.constant 1 : i32
        %add3A_42 = arith.addi %mul3A_40, %add3A_41 : i32
        %dma_start3A_43 = arith.constant 0 : i32
        %dma_start3A_44 = tpu.memref_slice %arg6[%add3A_42, %dma_start3A_43] : memref<32x128xi32, #tpu.memory_space<vmem>> -> memref<1x128xi32, #tpu.memory_space<vmem>>
        %dma_start3A_45 = tpu.memref_squeeze %dma_start3A_44 : memref<1x128xi32, #tpu.memory_space<vmem>> -> memref<128xi32, #tpu.memory_space<vmem>>
        %dma_start3A_46 = arith.constant 0 : i32
        %dma_start3A_47 = arith.constant 0 : i32
        %dma_start3A_48 = tpu.memref_slice %arg2[%dma_start3A_46, %dma_start3A_47] : memref<20480x128xf32, #tpu.memory_space<hbm>> -> memref<20480x128xf32, #tpu.memory_space<hbm>>
        tpu.enqueue_indirect_dma source(%dma_start3A_48 : memref<20480x128xf32, #tpu.memory_space<hbm>>) target(%arg9 : memref<128x128xf32, #tpu.memory_space<vmem>>) offsets(%dma_start3A_45 : memref<128xi32, #tpu.memory_space<vmem>>) semaphore(%arg12 : memref<!tpu.dma_semaphore, #tpu.memory_space<semaphore_mem>>)
        %dma_wait3A = arith.constant 0 : i32
        %dma_wait3A_49 = tpu.memref_slice %arg6[%mul3A_40, %dma_wait3A] : memref<32x128xi32, #tpu.memory_space<vmem>> -> memref<1x128xi32, #tpu.memory_space<vmem>>
        %dma_wait3A_50 = tpu.memref_squeeze %dma_wait3A_49 : memref<1x128xi32, #tpu.memory_space<vmem>> -> memref<128xi32, #tpu.memory_space<vmem>>
        %dma_wait3A_51 = arith.constant 0 : i32
        %dma_wait3A_52 = arith.constant 0 : i32
        %dma_wait3A_53 = tpu.memref_slice %arg2[%dma_wait3A_51, %dma_wait3A_52] : memref<20480x128xf32, #tpu.memory_space<hbm>> -> memref<20480x128xf32, #tpu.memory_space<hbm>>
        tpu.wait_indirect_dma semaphore(%arg11 : memref<!tpu.dma_semaphore, #tpu.memory_space<semaphore_mem>>) src(%dma_wait3A_53 : memref<20480x128xf32, #tpu.memory_space<hbm>>) dst(%arg8 : memref<128x128xf32, #tpu.memory_space<vmem>>)
        "tpu.region"() ({
          %run_scoped3A = tpu.sem_alloc : memref<!tpu.dma_semaphore, #tpu.memory_space<semaphore_mem>>
          %dma_start3A_68 = arith.constant 0 : i32
          %dma_start3A_69 = tpu.memref_slice %arg7[%mul3A_40, %dma_start3A_68] : memref<32x128xi32, #tpu.memory_space<vmem>> -> memref<1x128xi32, #tpu.memory_space<vmem>>
          %dma_start3A_70 = tpu.memref_squeeze %dma_start3A_69 : memref<1x128xi32, #tpu.memory_space<vmem>> -> memref<128xi32, #tpu.memory_space<vmem>>
          %dma_start3A_71 = arith.constant 0 : i32
          %dma_start3A_72 = arith.constant 0 : i32
          %dma_start3A_73 = tpu.memref_slice %arg10[%dma_start3A_71, %dma_start3A_72] : memref<10240x128xf32, #tpu.memory_space<vmem_shared>> -> memref<10240x128xf32, #tpu.memory_space<vmem_shared>>
          tpu.enqueue_indirect_dma source(%arg8 : memref<128x128xf32, #tpu.memory_space<vmem>>) target(%dma_start3A_73 : memref<10240x128xf32, #tpu.memory_space<vmem_shared>>) offsets(%dma_start3A_70 : memref<128xi32, #tpu.memory_space<vmem>>) semaphore(%run_scoped3A : memref<!tpu.dma_semaphore, #tpu.memory_space<semaphore_mem>>) {add = true}
          %dma_wait3A_74 = arith.constant 0 : i32
          %dma_wait3A_75 = tpu.memref_slice %arg7[%mul3A_40, %dma_wait3A_74] : memref<32x128xi32, #tpu.memory_space<vmem>> -> memref<1x128xi32, #tpu.memory_space<vmem>>
          %dma_wait3A_76 = tpu.memref_squeeze %dma_wait3A_75 : memref<1x128xi32, #tpu.memory_space<vmem>> -> memref<128xi32, #tpu.memory_space<vmem>>
          %dma_wait3A_77 = arith.constant 0 : i32
          %dma_wait3A_78 = arith.constant 0 : i32
          %dma_wait3A_79 = tpu.memref_slice %arg10[%dma_wait3A_77, %dma_wait3A_78] : memref<10240x128xf32, #tpu.memory_space<vmem_shared>> -> memref<10240x128xf32, #tpu.memory_space<vmem_shared>>
          tpu.wait_indirect_dma semaphore(%run_scoped3A : memref<!tpu.dma_semaphore, #tpu.memory_space<semaphore_mem>>) src(%arg8 : memref<128x128xf32, #tpu.memory_space<vmem>>) dst(%dma_wait3A_79 : memref<10240x128xf32, #tpu.memory_space<vmem_shared>>)
          tpu.yield
        }) : () -> ()
        %add3A_54 = arith.constant 2 : i32
        %add3A_55 = arith.addi %mul3A_40, %add3A_54 : i32
        %lt3A = arith.constant 32 : i32
        %lt3A_56 = arith.cmpi slt, %add3A_55, %lt3A : i32
        %convert_element_type3A = arith.extui %lt3A_56 : i1 to i32
        %cond3A = arith.constant 0 : i32
        %cond3A_57 = arith.cmpi ne, %convert_element_type3A, %cond3A : i32
        scf.if %cond3A_57 {
          %add3A_68 = arith.constant 2 : i32
          %add3A_69 = arith.addi %mul3A_40, %add3A_68 : i32
          %dma_start3A_70 = arith.constant 0 : i32
          %dma_start3A_71 = tpu.memref_slice %arg6[%add3A_69, %dma_start3A_70] : memref<32x128xi32, #tpu.memory_space<vmem>> -> memref<1x128xi32, #tpu.memory_space<vmem>>
          %dma_start3A_72 = tpu.memref_squeeze %dma_start3A_71 : memref<1x128xi32, #tpu.memory_space<vmem>> -> memref<128xi32, #tpu.memory_space<vmem>>
          %dma_start3A_73 = arith.constant 0 : i32
          %dma_start3A_74 = arith.constant 0 : i32
          %dma_start3A_75 = tpu.memref_slice %arg2[%dma_start3A_73, %dma_start3A_74] : memref<20480x128xf32, #tpu.memory_space<hbm>> -> memref<20480x128xf32, #tpu.memory_space<hbm>>
          tpu.enqueue_indirect_dma source(%dma_start3A_75 : memref<20480x128xf32, #tpu.memory_space<hbm>>) target(%arg8 : memref<128x128xf32, #tpu.memory_space<vmem>>) offsets(%dma_start3A_72 : memref<128xi32, #tpu.memory_space<vmem>>) semaphore(%arg11 : memref<!tpu.dma_semaphore, #tpu.memory_space<semaphore_mem>>)
        } else {
        }
        %add3A_58 = arith.constant 1 : i32
        %add3A_59 = arith.addi %mul3A_40, %add3A_58 : i32
        %dma_wait3A_60 = arith.constant 0 : i32
        %dma_wait3A_61 = tpu.memref_slice %arg6[%add3A_59, %dma_wait3A_60] : memref<32x128xi32, #tpu.memory_space<vmem>> -> memref<1x128xi32, #tpu.memory_space<vmem>>
        %dma_wait3A_62 = tpu.memref_squeeze %dma_wait3A_61 : memref<1x128xi32, #tpu.memory_space<vmem>> -> memref<128xi32, #tpu.memory_space<vmem>>
        %dma_wait3A_63 = arith.constant 0 : i32
        %dma_wait3A_64 = arith.constant 0 : i32
        %dma_wait3A_65 = tpu.memref_slice %arg2[%dma_wait3A_63, %dma_wait3A_64] : memref<20480x128xf32, #tpu.memory_space<hbm>> -> memref<20480x128xf32, #tpu.memory_space<hbm>>
        tpu.wait_indirect_dma semaphore(%arg12 : memref<!tpu.dma_semaphore, #tpu.memory_space<semaphore_mem>>) src(%dma_wait3A_65 : memref<20480x128xf32, #tpu.memory_space<hbm>>) dst(%arg9 : memref<128x128xf32, #tpu.memory_space<vmem>>)
        %add3A_66 = arith.constant 1 : i32
        %add3A_67 = arith.addi %mul3A_40, %add3A_66 : i32
        "tpu.region"() ({
          %run_scoped3A = tpu.sem_alloc : memref<!tpu.dma_semaphore, #tpu.memory_space<semaphore_mem>>
          %dma_start3A_68 = arith.constant 0 : i32
          %dma_start3A_69 = tpu.memref_slice %arg7[%add3A_67, %dma_start3A_68] : memref<32x128xi32, #tpu.memory_space<vmem>> -> memref<1x128xi32, #tpu.memory_space<vmem>>
          %dma_start3A_70 = tpu.memref_squeeze %dma_start3A_69 : memref<1x128xi32, #tpu.memory_space<vmem>> -> memref<128xi32, #tpu.memory_space<vmem>>
          %dma_start3A_71 = arith.constant 0 : i32
          %dma_start3A_72 = arith.constant 0 : i32
          %dma_start3A_73 = tpu.memref_slice %arg10[%dma_start3A_71, %dma_start3A_72] : memref<10240x128xf32, #tpu.memory_space<vmem_shared>> -> memref<10240x128xf32, #tpu.memory_space<vmem_shared>>
          tpu.enqueue_indirect_dma source(%arg9 : memref<128x128xf32, #tpu.memory_space<vmem>>) target(%dma_start3A_73 : memref<10240x128xf32, #tpu.memory_space<vmem_shared>>) offsets(%dma_start3A_70 : memref<128xi32, #tpu.memory_space<vmem>>) semaphore(%run_scoped3A : memref<!tpu.dma_semaphore, #tpu.memory_space<semaphore_mem>>) {add = true}
          %dma_wait3A_74 = arith.constant 0 : i32
          %dma_wait3A_75 = tpu.memref_slice %arg7[%add3A_67, %dma_wait3A_74] : memref<32x128xi32, #tpu.memory_space<vmem>> -> memref<1x128xi32, #tpu.memory_space<vmem>>
          %dma_wait3A_76 = tpu.memref_squeeze %dma_wait3A_75 : memref<1x128xi32, #tpu.memory_space<vmem>> -> memref<128xi32, #tpu.memory_space<vmem>>
          %dma_wait3A_77 = arith.constant 0 : i32
          %dma_wait3A_78 = arith.constant 0 : i32
          %dma_wait3A_79 = tpu.memref_slice %arg10[%dma_wait3A_77, %dma_wait3A_78] : memref<10240x128xf32, #tpu.memory_space<vmem_shared>> -> memref<10240x128xf32, #tpu.memory_space<vmem_shared>>
          tpu.wait_indirect_dma semaphore(%run_scoped3A : memref<!tpu.dma_semaphore, #tpu.memory_space<semaphore_mem>>) src(%arg9 : memref<128x128xf32, #tpu.memory_space<vmem>>) dst(%dma_wait3A_79 : memref<10240x128xf32, #tpu.memory_space<vmem_shared>>)
          tpu.yield
        }) : () -> ()
      }
      %scan3A_37 = arith.constant 16 : i32
    }
    %scan3A_7 = arith.constant 5 : i32
    %barrier3A_8 = arith.constant 0 : index
    tpu.barrier barrier_id(%barrier3A_8)
    %mul3A_9 = arith.constant 10240 : i32
    %mul3A_10 = arith.muli %arg0, %mul3A_9 : i32
    %add3A_11 = arith.addi %mul3A_10, %mul3A_0 : i32
    "tpu.region"() ({
      %run_scoped3A = tpu.sem_alloc : memref<!tpu.dma_semaphore, #tpu.memory_space<semaphore_mem>>
      %dma_start3A = arith.constant 0 : i32
      %dma_start3A_12 = tpu.memref_slice %arg5[%add3A_11, %dma_start3A] : memref<20480x128xf32, #tpu.memory_space<hbm>> -> memref<640x128xf32, #tpu.memory_space<hbm>>
      %dma_start3A_13 = arith.constant 0 : i32
      %dma_start3A_14 = tpu.memref_slice %arg10[%mul3A_0, %dma_start3A_13] : memref<10240x128xf32, #tpu.memory_space<vmem_shared>> -> memref<640x128xf32, #tpu.memory_space<vmem_shared>>
      tpu.enqueue_dma source(%dma_start3A_14 : memref<640x128xf32, #tpu.memory_space<vmem_shared>>) target(%dma_start3A_12 : memref<640x128xf32, #tpu.memory_space<hbm>>) target_semaphore(%run_scoped3A : memref<!tpu.dma_semaphore, #tpu.memory_space<semaphore_mem>>)
      %dma_wait3A = arith.constant 0 : i32
      %dma_wait3A_15 = tpu.memref_slice %arg5[%add3A_11, %dma_wait3A] : memref<20480x128xf32, #tpu.memory_space<hbm>> -> memref<640x128xf32, #tpu.memory_space<hbm>>
      %dma_wait3A_16 = arith.constant 0 : i32
      %dma_wait3A_17 = tpu.memref_slice %arg10[%mul3A_0, %dma_wait3A_16] : memref<10240x128xf32, #tpu.memory_space<vmem_shared>> -> memref<640x128xf32, #tpu.memory_space<vmem_shared>>
      tpu.wait_dma2 semaphore(%run_scoped3A : memref<!tpu.dma_semaphore, #tpu.memory_space<semaphore_mem>>) src(%dma_wait3A_17 : memref<640x128xf32, #tpu.memory_space<vmem_shared>>) dst(%dma_wait3A_15 : memref<640x128xf32, #tpu.memory_space<hbm>>)
      tpu.yield
    }) : () -> ()
    return
  }
}

#map = affine_map<(d0, d1) -> (0, 0)>
module attributes {stable_mosaic.version = 14 : i64} {
  func.func @_sc_scatter_body(%arg0: i32, %arg1: i32, %arg2: memref<20480x128xf32, #tpu.memory_space<hbm>>, %arg3: memref<5120x128xi32, #tpu.memory_space<hbm>>, %arg4: memref<2560x128xi32, #tpu.memory_space<hbm>>, %arg5: memref<20480x128xf32, #tpu.memory_space<hbm>>, %arg6: memref<32x128xi32, #tpu.memory_space<vmem>>, %arg7: memref<32x128xi32, #tpu.memory_space<vmem>>, %arg8: memref<128x128xf32, #tpu.memory_space<vmem>>, %arg9: memref<128x128xf32, #tpu.memory_space<vmem>>, %arg10: memref<10240x128xf32, #tpu.memory_space<vmem_shared>>, %arg11: memref<!tpu.dma_semaphore, #tpu.memory_space<semaphore_mem>>, %arg12: memref<!tpu.dma_semaphore, #tpu.memory_space<semaphore_mem>>) attributes {dimension_semantics = [#tpu.dimension_semantics<core_parallel>, #tpu.dimension_semantics<subcore_parallel>], iteration_bounds = array<i64: 2, 16>, scalar_prefetch = 0 : i64, scratch_operands = 7 : i64, tpu.core_type = #tpu.core_type<sc_vector_subcore>, window_params = [{transform_indices = #map}, {transform_indices = #map}, {transform_indices = #map}, {transform_indices = #map}]} {
    %mul3A = arith.constant 640 : i32
    %mul3A_0 = arith.muli %arg1, %mul3A : i32
    %mul3A_1 = arith.constant 10240 : i32
    %mul3A_2 = arith.muli %arg0, %mul3A_1 : i32
    %add3A = arith.addi %mul3A_2, %mul3A_0 : i32
    "tpu.region"() ({
      %run_scoped3A = tpu.sem_alloc : memref<!tpu.dma_semaphore, #tpu.memory_space<semaphore_mem>>
      %dma_start3A = arith.constant 0 : i32
      %dma_start3A_12 = tpu.memref_slice %arg10[%mul3A_0, %dma_start3A] : memref<10240x128xf32, #tpu.memory_space<vmem_shared>> -> memref<640x128xf32, #tpu.memory_space<vmem_shared>>
      %dma_start3A_13 = arith.constant 0 : i32
      %dma_start3A_14 = tpu.memref_slice %arg2[%add3A, %dma_start3A_13] : memref<20480x128xf32, #tpu.memory_space<hbm>> -> memref<640x128xf32, #tpu.memory_space<hbm>>
      tpu.enqueue_dma source(%dma_start3A_14 : memref<640x128xf32, #tpu.memory_space<hbm>>) target(%dma_start3A_12 : memref<640x128xf32, #tpu.memory_space<vmem_shared>>) target_semaphore(%run_scoped3A : memref<!tpu.dma_semaphore, #tpu.memory_space<semaphore_mem>>)
      %dma_wait3A = arith.constant 0 : i32
      %dma_wait3A_15 = tpu.memref_slice %arg10[%mul3A_0, %dma_wait3A] : memref<10240x128xf32, #tpu.memory_space<vmem_shared>> -> memref<640x128xf32, #tpu.memory_space<vmem_shared>>
      %dma_wait3A_16 = arith.constant 0 : i32
      %dma_wait3A_17 = tpu.memref_slice %arg2[%add3A, %dma_wait3A_16] : memref<20480x128xf32, #tpu.memory_space<hbm>> -> memref<640x128xf32, #tpu.memory_space<hbm>>
      tpu.wait_dma2 semaphore(%run_scoped3A : memref<!tpu.dma_semaphore, #tpu.memory_space<semaphore_mem>>) src(%dma_wait3A_17 : memref<640x128xf32, #tpu.memory_space<hbm>>) dst(%dma_wait3A_15 : memref<640x128xf32, #tpu.memory_space<vmem_shared>>)
      tpu.yield
    }) : () -> ()
    %barrier3A = arith.constant 0 : index
    tpu.barrier barrier_id(%barrier3A)
    %scan3A = arith.constant 0 : i32
    %scan3A_3 = arith.constant 0 : i32
    %scan3A_4 = arith.constant 5 : i32
    %scan3A_5 = arith.addi %scan3A_3, %scan3A_4 : i32
    %scan3A_6 = arith.constant 1 : i32
    scf.for %scan3A_12 = %scan3A_3 to %scan3A_5 step %scan3A_6  : i32 {
      %mul3A_13 = arith.constant 2560 : i32
      %mul3A_14 = arith.muli %arg0, %mul3A_13 : i32
      %mul3A_15 = arith.constant 160 : i32
      %mul3A_16 = arith.muli %arg1, %mul3A_15 : i32
      %add3A_17 = arith.addi %mul3A_14, %mul3A_16 : i32
      %mul3A_18 = arith.constant 32 : i32
      %mul3A_19 = arith.muli %scan3A_12, %mul3A_18 : i32
      %add3A_20 = arith.addi %add3A_17, %mul3A_19 : i32
      %mul3A_21 = arith.constant 160 : i32
      %mul3A_22 = arith.muli %arg1, %mul3A_21 : i32
      %mul3A_23 = arith.constant 32 : i32
      %mul3A_24 = arith.muli %scan3A_12, %mul3A_23 : i32
      %add3A_25 = arith.addi %mul3A_22, %mul3A_24 : i32
      "tpu.region"() ({
        %run_scoped3A = tpu.sem_alloc : memref<!tpu.dma_semaphore, #tpu.memory_space<semaphore_mem>>
        %dma_start3A_38 = arith.constant 0 : i32
        %dma_start3A_39 = tpu.memref_slice %arg3[%add3A_20, %dma_start3A_38] : memref<5120x128xi32, #tpu.memory_space<hbm>> -> memref<32x128xi32, #tpu.memory_space<hbm>>
        %dma_start3A_40 = arith.constant 0 : i32
        %dma_start3A_41 = tpu.memref_slice %arg3[%add3A_20, %dma_start3A_40] : memref<5120x128xi32, #tpu.memory_space<hbm>> -> memref<32x128xi32, #tpu.memory_space<hbm>>
        tpu.enqueue_dma source(%dma_start3A_41 : memref<32x128xi32, #tpu.memory_space<hbm>>) target(%arg6 : memref<32x128xi32, #tpu.memory_space<vmem>>) target_semaphore(%run_scoped3A : memref<!tpu.dma_semaphore, #tpu.memory_space<semaphore_mem>>)
        %dma_wait3A = arith.constant 0 : i32
        %dma_wait3A_42 = tpu.memref_slice %arg3[%add3A_20, %dma_wait3A] : memref<5120x128xi32, #tpu.memory_space<hbm>> -> memref<32x128xi32, #tpu.memory_space<hbm>>
        %dma_wait3A_43 = arith.constant 0 : i32
        %dma_wait3A_44 = tpu.memref_slice %arg3[%add3A_20, %dma_wait3A_43] : memref<5120x128xi32, #tpu.memory_space<hbm>> -> memref<32x128xi32, #tpu.memory_space<hbm>>
        tpu.wait_dma2 semaphore(%run_scoped3A : memref<!tpu.dma_semaphore, #tpu.memory_space<semaphore_mem>>) src(%dma_wait3A_44 : memref<32x128xi32, #tpu.memory_space<hbm>>) dst(%arg6 : memref<32x128xi32, #tpu.memory_space<vmem>>)
        tpu.yield
      }) : () -> ()
      "tpu.region"() ({
        %run_scoped3A = tpu.sem_alloc : memref<!tpu.dma_semaphore, #tpu.memory_space<semaphore_mem>>
        %dma_start3A_38 = arith.constant 0 : i32
        %dma_start3A_39 = tpu.memref_slice %arg4[%add3A_25, %dma_start3A_38] : memref<2560x128xi32, #tpu.memory_space<hbm>> -> memref<32x128xi32, #tpu.memory_space<hbm>>
        %dma_start3A_40 = arith.constant 0 : i32
        %dma_start3A_41 = tpu.memref_slice %arg4[%add3A_25, %dma_start3A_40] : memref<2560x128xi32, #tpu.memory_space<hbm>> -> memref<32x128xi32, #tpu.memory_space<hbm>>
        tpu.enqueue_dma source(%dma_start3A_41 : memref<32x128xi32, #tpu.memory_space<hbm>>) target(%arg7 : memref<32x128xi32, #tpu.memory_space<vmem>>) target_semaphore(%run_scoped3A : memref<!tpu.dma_semaphore, #tpu.memory_space<semaphore_mem>>)
        %dma_wait3A = arith.constant 0 : i32
        %dma_wait3A_42 = tpu.memref_slice %arg4[%add3A_25, %dma_wait3A] : memref<2560x128xi32, #tpu.memory_space<hbm>> -> memref<32x128xi32, #tpu.memory_space<hbm>>
        %dma_wait3A_43 = arith.constant 0 : i32
        %dma_wait3A_44 = tpu.memref_slice %arg4[%add3A_25, %dma_wait3A_43] : memref<2560x128xi32, #tpu.memory_space<hbm>> -> memref<32x128xi32, #tpu.memory_space<hbm>>
        tpu.wait_dma2 semaphore(%run_scoped3A : memref<!tpu.dma_semaphore, #tpu.memory_space<semaphore_mem>>) src(%dma_wait3A_44 : memref<32x128xi32, #tpu.memory_space<hbm>>) dst(%arg7 : memref<32x128xi32, #tpu.memory_space<vmem>>)
        tpu.yield
      }) : () -> ()
      %dma_start3A = arith.constant 0 : i32
      %dma_start3A_26 = arith.constant 0 : i32
      %dma_start3A_27 = tpu.memref_slice %arg6[%dma_start3A, %dma_start3A_26] : memref<32x128xi32, #tpu.memory_space<vmem>> -> memref<1x128xi32, #tpu.memory_space<vmem>>
      %dma_start3A_28 = tpu.memref_squeeze %dma_start3A_27 : memref<1x128xi32, #tpu.memory_space<vmem>> -> memref<128xi32, #tpu.memory_space<vmem>>
      %dma_start3A_29 = arith.constant 0 : i32
      %dma_start3A_30 = arith.constant 0 : i32
      %dma_start3A_31 = tpu.memref_slice %arg2[%dma_start3A_29, %dma_start3A_30] : memref<20480x128xf32, #tpu.memory_space<hbm>> -> memref<20480x128xf32, #tpu.memory_space<hbm>>
      tpu.enqueue_indirect_dma source(%dma_start3A_31 : memref<20480x128xf32, #tpu.memory_space<hbm>>) target(%arg8 : memref<128x128xf32, #tpu.memory_space<vmem>>) offsets(%dma_start3A_28 : memref<128xi32, #tpu.memory_space<vmem>>) semaphore(%arg11 : memref<!tpu.dma_semaphore, #tpu.memory_space<semaphore_mem>>)
      %scan3A_32 = arith.constant 0 : i32
      %scan3A_33 = arith.constant 0 : i32
      %scan3A_34 = arith.constant 16 : i32
      %scan3A_35 = arith.addi %scan3A_33, %scan3A_34 : i32
      %scan3A_36 = arith.constant 1 : i32
      scf.for %scan3A_38 = %scan3A_33 to %scan3A_35 step %scan3A_36  : i32 {
        %mul3A_39 = arith.constant 2 : i32
        %mul3A_40 = arith.muli %mul3A_39, %scan3A_38 : i32
        %add3A_41 = arith.constant 1 : i32
        %add3A_42 = arith.addi %mul3A_40, %add3A_41 : i32
        %dma_start3A_43 = arith.constant 0 : i32
        %dma_start3A_44 = tpu.memref_slice %arg6[%add3A_42, %dma_start3A_43] : memref<32x128xi32, #tpu.memory_space<vmem>> -> memref<1x128xi32, #tpu.memory_space<vmem>>
        %dma_start3A_45 = tpu.memref_squeeze %dma_start3A_44 : memref<1x128xi32, #tpu.memory_space<vmem>> -> memref<128xi32, #tpu.memory_space<vmem>>
        %dma_start3A_46 = arith.constant 0 : i32
        %dma_start3A_47 = arith.constant 0 : i32
        %dma_start3A_48 = tpu.memref_slice %arg2[%dma_start3A_46, %dma_start3A_47] : memref<20480x128xf32, #tpu.memory_space<hbm>> -> memref<20480x128xf32, #tpu.memory_space<hbm>>
        tpu.enqueue_indirect_dma source(%dma_start3A_48 : memref<20480x128xf32, #tpu.memory_space<hbm>>) target(%arg9 : memref<128x128xf32, #tpu.memory_space<vmem>>) offsets(%dma_start3A_45 : memref<128xi32, #tpu.memory_space<vmem>>) semaphore(%arg12 : memref<!tpu.dma_semaphore, #tpu.memory_space<semaphore_mem>>)
        %dma_wait3A = arith.constant 0 : i32
        %dma_wait3A_49 = tpu.memref_slice %arg6[%mul3A_40, %dma_wait3A] : memref<32x128xi32, #tpu.memory_space<vmem>> -> memref<1x128xi32, #tpu.memory_space<vmem>>
        %dma_wait3A_50 = tpu.memref_squeeze %dma_wait3A_49 : memref<1x128xi32, #tpu.memory_space<vmem>> -> memref<128xi32, #tpu.memory_space<vmem>>
        %dma_wait3A_51 = arith.constant 0 : i32
        %dma_wait3A_52 = arith.constant 0 : i32
        %dma_wait3A_53 = tpu.memref_slice %arg2[%dma_wait3A_51, %dma_wait3A_52] : memref<20480x128xf32, #tpu.memory_space<hbm>> -> memref<20480x128xf32, #tpu.memory_space<hbm>>
        tpu.wait_indirect_dma semaphore(%arg11 : memref<!tpu.dma_semaphore, #tpu.memory_space<semaphore_mem>>) src(%dma_wait3A_53 : memref<20480x128xf32, #tpu.memory_space<hbm>>) dst(%arg8 : memref<128x128xf32, #tpu.memory_space<vmem>>)
        "tpu.region"() ({
          %run_scoped3A = tpu.sem_alloc : memref<!tpu.dma_semaphore, #tpu.memory_space<semaphore_mem>>
          %dma_start3A_68 = arith.constant 0 : i32
          %dma_start3A_69 = tpu.memref_slice %arg7[%mul3A_40, %dma_start3A_68] : memref<32x128xi32, #tpu.memory_space<vmem>> -> memref<1x128xi32, #tpu.memory_space<vmem>>
          %dma_start3A_70 = tpu.memref_squeeze %dma_start3A_69 : memref<1x128xi32, #tpu.memory_space<vmem>> -> memref<128xi32, #tpu.memory_space<vmem>>
          %dma_start3A_71 = arith.constant 0 : i32
          %dma_start3A_72 = arith.constant 0 : i32
          %dma_start3A_73 = tpu.memref_slice %arg10[%dma_start3A_71, %dma_start3A_72] : memref<10240x128xf32, #tpu.memory_space<vmem_shared>> -> memref<10240x128xf32, #tpu.memory_space<vmem_shared>>
          tpu.enqueue_indirect_dma source(%arg8 : memref<128x128xf32, #tpu.memory_space<vmem>>) target(%dma_start3A_73 : memref<10240x128xf32, #tpu.memory_space<vmem_shared>>) offsets(%dma_start3A_70 : memref<128xi32, #tpu.memory_space<vmem>>) semaphore(%run_scoped3A : memref<!tpu.dma_semaphore, #tpu.memory_space<semaphore_mem>>) {add = true}
          %dma_wait3A_74 = arith.constant 0 : i32
          %dma_wait3A_75 = tpu.memref_slice %arg7[%mul3A_40, %dma_wait3A_74] : memref<32x128xi32, #tpu.memory_space<vmem>> -> memref<1x128xi32, #tpu.memory_space<vmem>>
          %dma_wait3A_76 = tpu.memref_squeeze %dma_wait3A_75 : memref<1x128xi32, #tpu.memory_space<vmem>> -> memref<128xi32, #tpu.memory_space<vmem>>
          %dma_wait3A_77 = arith.constant 0 : i32
          %dma_wait3A_78 = arith.constant 0 : i32
          %dma_wait3A_79 = tpu.memref_slice %arg10[%dma_wait3A_77, %dma_wait3A_78] : memref<10240x128xf32, #tpu.memory_space<vmem_shared>> -> memref<10240x128xf32, #tpu.memory_space<vmem_shared>>
          tpu.wait_indirect_dma semaphore(%run_scoped3A : memref<!tpu.dma_semaphore, #tpu.memory_space<semaphore_mem>>) src(%arg8 : memref<128x128xf32, #tpu.memory_space<vmem>>) dst(%dma_wait3A_79 : memref<10240x128xf32, #tpu.memory_space<vmem_shared>>)
          tpu.yield
        }) : () -> ()
        %add3A_54 = arith.constant 2 : i32
        %add3A_55 = arith.addi %mul3A_40, %add3A_54 : i32
        %lt3A = arith.constant 32 : i32
        %lt3A_56 = arith.cmpi slt, %add3A_55, %lt3A : i32
        %convert_element_type3A = arith.extui %lt3A_56 : i1 to i32
        %cond3A = arith.constant 0 : i32
        %cond3A_57 = arith.cmpi ne, %convert_element_type3A, %cond3A : i32
        scf.if %cond3A_57 {
          %add3A_68 = arith.constant 2 : i32
          %add3A_69 = arith.addi %mul3A_40, %add3A_68 : i32
          %dma_start3A_70 = arith.constant 0 : i32
          %dma_start3A_71 = tpu.memref_slice %arg6[%add3A_69, %dma_start3A_70] : memref<32x128xi32, #tpu.memory_space<vmem>> -> memref<1x128xi32, #tpu.memory_space<vmem>>
          %dma_start3A_72 = tpu.memref_squeeze %dma_start3A_71 : memref<1x128xi32, #tpu.memory_space<vmem>> -> memref<128xi32, #tpu.memory_space<vmem>>
          %dma_start3A_73 = arith.constant 0 : i32
          %dma_start3A_74 = arith.constant 0 : i32
          %dma_start3A_75 = tpu.memref_slice %arg2[%dma_start3A_73, %dma_start3A_74] : memref<20480x128xf32, #tpu.memory_space<hbm>> -> memref<20480x128xf32, #tpu.memory_space<hbm>>
          tpu.enqueue_indirect_dma source(%dma_start3A_75 : memref<20480x128xf32, #tpu.memory_space<hbm>>) target(%arg8 : memref<128x128xf32, #tpu.memory_space<vmem>>) offsets(%dma_start3A_72 : memref<128xi32, #tpu.memory_space<vmem>>) semaphore(%arg11 : memref<!tpu.dma_semaphore, #tpu.memory_space<semaphore_mem>>)
        } else {
        }
        %add3A_58 = arith.constant 1 : i32
        %add3A_59 = arith.addi %mul3A_40, %add3A_58 : i32
        %dma_wait3A_60 = arith.constant 0 : i32
        %dma_wait3A_61 = tpu.memref_slice %arg6[%add3A_59, %dma_wait3A_60] : memref<32x128xi32, #tpu.memory_space<vmem>> -> memref<1x128xi32, #tpu.memory_space<vmem>>
        %dma_wait3A_62 = tpu.memref_squeeze %dma_wait3A_61 : memref<1x128xi32, #tpu.memory_space<vmem>> -> memref<128xi32, #tpu.memory_space<vmem>>
        %dma_wait3A_63 = arith.constant 0 : i32
        %dma_wait3A_64 = arith.constant 0 : i32
        %dma_wait3A_65 = tpu.memref_slice %arg2[%dma_wait3A_63, %dma_wait3A_64] : memref<20480x128xf32, #tpu.memory_space<hbm>> -> memref<20480x128xf32, #tpu.memory_space<hbm>>
        tpu.wait_indirect_dma semaphore(%arg12 : memref<!tpu.dma_semaphore, #tpu.memory_space<semaphore_mem>>) src(%dma_wait3A_65 : memref<20480x128xf32, #tpu.memory_space<hbm>>) dst(%arg9 : memref<128x128xf32, #tpu.memory_space<vmem>>)
        %add3A_66 = arith.constant 1 : i32
        %add3A_67 = arith.addi %mul3A_40, %add3A_66 : i32
        "tpu.region"() ({
          %run_scoped3A = tpu.sem_alloc : memref<!tpu.dma_semaphore, #tpu.memory_space<semaphore_mem>>
          %dma_start3A_68 = arith.constant 0 : i32
          %dma_start3A_69 = tpu.memref_slice %arg7[%add3A_67, %dma_start3A_68] : memref<32x128xi32, #tpu.memory_space<vmem>> -> memref<1x128xi32, #tpu.memory_space<vmem>>
          %dma_start3A_70 = tpu.memref_squeeze %dma_start3A_69 : memref<1x128xi32, #tpu.memory_space<vmem>> -> memref<128xi32, #tpu.memory_space<vmem>>
          %dma_start3A_71 = arith.constant 0 : i32
          %dma_start3A_72 = arith.constant 0 : i32
          %dma_start3A_73 = tpu.memref_slice %arg10[%dma_start3A_71, %dma_start3A_72] : memref<10240x128xf32, #tpu.memory_space<vmem_shared>> -> memref<10240x128xf32, #tpu.memory_space<vmem_shared>>
          tpu.enqueue_indirect_dma source(%arg9 : memref<128x128xf32, #tpu.memory_space<vmem>>) target(%dma_start3A_73 : memref<10240x128xf32, #tpu.memory_space<vmem_shared>>) offsets(%dma_start3A_70 : memref<128xi32, #tpu.memory_space<vmem>>) semaphore(%run_scoped3A : memref<!tpu.dma_semaphore, #tpu.memory_space<semaphore_mem>>) {add = true}
          %dma_wait3A_74 = arith.constant 0 : i32
          %dma_wait3A_75 = tpu.memref_slice %arg7[%add3A_67, %dma_wait3A_74] : memref<32x128xi32, #tpu.memory_space<vmem>> -> memref<1x128xi32, #tpu.memory_space<vmem>>
          %dma_wait3A_76 = tpu.memref_squeeze %dma_wait3A_75 : memref<1x128xi32, #tpu.memory_space<vmem>> -> memref<128xi32, #tpu.memory_space<vmem>>
          %dma_wait3A_77 = arith.constant 0 : i32
          %dma_wait3A_78 = arith.constant 0 : i32
          %dma_wait3A_79 = tpu.memref_slice %arg10[%dma_wait3A_77, %dma_wait3A_78] : memref<10240x128xf32, #tpu.memory_space<vmem_shared>> -> memref<10240x128xf32, #tpu.memory_space<vmem_shared>>
          tpu.wait_indirect_dma semaphore(%run_scoped3A : memref<!tpu.dma_semaphore, #tpu.memory_space<semaphore_mem>>) src(%arg9 : memref<128x128xf32, #tpu.memory_space<vmem>>) dst(%dma_wait3A_79 : memref<10240x128xf32, #tpu.memory_space<vmem_shared>>)
          tpu.yield
        }) : () -> ()
      }
      %scan3A_37 = arith.constant 16 : i32
    }
    %scan3A_7 = arith.constant 5 : i32
    %barrier3A_8 = arith.constant 0 : index
    tpu.barrier barrier_id(%barrier3A_8)
    %mul3A_9 = arith.constant 10240 : i32
    %mul3A_10 = arith.muli %arg0, %mul3A_9 : i32
    %add3A_11 = arith.addi %mul3A_10, %mul3A_0 : i32
    "tpu.region"() ({
      %run_scoped3A = tpu.sem_alloc : memref<!tpu.dma_semaphore, #tpu.memory_space<semaphore_mem>>
      %dma_start3A = arith.constant 0 : i32
      %dma_start3A_12 = tpu.memref_slice %arg5[%add3A_11, %dma_start3A] : memref<20480x128xf32, #tpu.memory_space<hbm>> -> memref<640x128xf32, #tpu.memory_space<hbm>>
      %dma_start3A_13 = arith.constant 0 : i32
      %dma_start3A_14 = tpu.memref_slice %arg10[%mul3A_0, %dma_start3A_13] : memref<10240x128xf32, #tpu.memory_space<vmem_shared>> -> memref<640x128xf32, #tpu.memory_space<vmem_shared>>
      tpu.enqueue_dma source(%dma_start3A_14 : memref<640x128xf32, #tpu.memory_space<vmem_shared>>) target(%dma_start3A_12 : memref<640x128xf32, #tpu.memory_space<hbm>>) target_semaphore(%run_scoped3A : memref<!tpu.dma_semaphore, #tpu.memory_space<semaphore_mem>>)
      %dma_wait3A = arith.constant 0 : i32
      %dma_wait3A_15 = tpu.memref_slice %arg5[%add3A_11, %dma_wait3A] : memref<20480x128xf32, #tpu.memory_space<hbm>> -> memref<640x128xf32, #tpu.memory_space<hbm>>
      %dma_wait3A_16 = arith.constant 0 : i32
      %dma_wait3A_17 = tpu.memref_slice %arg10[%mul3A_0, %dma_wait3A_16] : memref<10240x128xf32, #tpu.memory_space<vmem_shared>> -> memref<640x128xf32, #tpu.memory_space<vmem_shared>>
      tpu.wait_dma2 semaphore(%run_scoped3A : memref<!tpu.dma_semaphore, #tpu.memory_space<semaphore_mem>>) src(%dma_wait3A_17 : memref<640x128xf32, #tpu.memory_space<vmem_shared>>) dst(%dma_wait3A_15 : memref<640x128xf32, #tpu.memory_space<hbm>>)
      tpu.yield
    }) : () -> ()
    return
  }
}

module attributes {stable_mosaic.version = 14 : i64} {
  func.func @_tc1a_body(%arg0: i32, %arg1: memref<512x128xf32, #tpu.memory_space<vmem>>, %arg2: memref<128x256xf32, #tpu.memory_space<vmem>>, %arg3: memref<512x256xf32, #tpu.memory_space<vmem>>) attributes {dimension_semantics = [#tpu.dimension_semantics<arbitrary>], iteration_bounds = array<i64: 20>, scalar_prefetch = 0 : i64, scratch_operands = 0 : i64, tpu.core_type = #tpu.core_type<tc>, window_params = [{transform_indices = @transform_0, window_bounds = array<i64: 512, 128>}, {pipeline_mode = #tpu.pipeline_mode<synchronous>, transform_indices = @transform_1, window_bounds = array<i64: 128, 256>}, {transform_indices = @transform_2, window_bounds = array<i64: 512, 256>}]} {
    %get3A = arith.constant 0 : index
    %get3A_0 = arith.constant 0 : index
    %get3A_1 = vector.load %arg1[%get3A, %get3A_0] : memref<512x128xf32, #tpu.memory_space<vmem>>, vector<512x128xf32>
    %get3A_2 = arith.constant 0 : index
    %get3A_3 = arith.constant 0 : index
    %get3A_4 = vector.load %arg2[%get3A_2, %get3A_3] : memref<128x256xf32, #tpu.memory_space<vmem>>, vector<128x256xf32>
    %dot_general3A = arith.constant dense<0.000000e+00> : vector<512x256xf32>
    %dot_general3A_5 = tpu.matmul %get3A_1, %get3A_4, %dot_general3A {dimension_numbers = #tpu.dot_dimension_numbers<[1], [0], [0], [1], [0, 0, 1, 1], [], []>, transpose_lhs_hint = false} : vector<512x128xf32>, vector<128x256xf32>, vector<512x256xf32> -> vector<512x256xf32>
    %swap3A = arith.constant 0 : index
    %swap3A_6 = arith.constant 0 : index
    %swap3A_7 = vector.load %arg3[%swap3A, %swap3A_6] : memref<512x256xf32, #tpu.memory_space<vmem>>, vector<512x256xf32>
    tpu.vector_store %arg3[%swap3A, %swap3A_6], %dot_general3A_5 {strides = array<i32>} : memref<512x256xf32, #tpu.memory_space<vmem>>, vector<512x256xf32>,
    return
  }
  func.func @transform_0(%arg0: i32) -> (i32, i32) {
    %c0_i32 = arith.constant 0 : i32
    %c0_i32_0 = arith.constant 0 : i32
    return %arg0, %c0_i32 : i32, i32
  }
  func.func @transform_1(%arg0: i32) -> (i32, i32) {
    %c0_i32 = arith.constant 0 : i32
    %c0_i32_0 = arith.constant 0 : i32
    %c0_i32_1 = arith.constant 0 : i32
    return %c0_i32, %c0_i32_0 : i32, i32
  }
  func.func @transform_2(%arg0: i32) -> (i32, i32) {
    %c0_i32 = arith.constant 0 : i32
    %c0_i32_0 = arith.constant 0 : i32
    return %arg0, %c0_i32 : i32, i32
  }
}

module attributes {stable_mosaic.version = 14 : i64} {
  func.func @_tc1b_body(%arg0: i32, %arg1: i32, %arg2: memref<512x128xf32, #tpu.memory_space<vmem>>, %arg3: memref<2x512x128xf32, #tpu.memory_space<vmem>>, %arg4: memref<1x512x128xf32, #tpu.memory_space<vmem>>) attributes {dimension_semantics = [#tpu.dimension_semantics<arbitrary>, #tpu.dimension_semantics<arbitrary>], iteration_bounds = array<i64: 20, 2>, scalar_prefetch = 0 : i64, scratch_operands = 0 : i64, tpu.core_type = #tpu.core_type<tc>, window_params = [{transform_indices = @transform_0, window_bounds = array<i64: 512, 128>}, {transform_indices = @transform_1, window_bounds = array<i64: 2, 512, 128>}, {transform_indices = @transform_2, window_bounds = array<i64: 1, 512, 128>}]} {
    %get3A = arith.constant 0 : index
    %get3A_0 = arith.constant 0 : index
    %get3A_1 = arith.constant 0 : index
    %get3A_2 = vector.load %arg3[%get3A, %get3A_0, %get3A_1] : memref<2x512x128xf32, #tpu.memory_space<vmem>>, vector<2x512x128xf32>
    %slice3A = vector.extract_strided_slice %get3A_2 {offsets = [0, 0, 0], sizes = [1, 512, 1], strides = [1, 1, 1]} : vector<2x512x128xf32> to vector<1x512x1xf32>
    %squeeze3A = vector.shape_cast %slice3A : vector<1x512x1xf32> to vector<512x1xf32>
    %add3A = arith.constant 1.000000e+00 : f32
    %add3A_3 = vector.broadcast %add3A : f32 to vector<512x1xf32>
    %add3A_4 = arith.addf %add3A_3, %squeeze3A : vector<512x1xf32>
    %slice3A_5 = vector.extract_strided_slice %get3A_2 {offsets = [1, 0, 0], sizes = [1, 512, 1], strides = [1, 1, 1]} : vector<2x512x128xf32> to vector<1x512x1xf32>
    %squeeze3A_6 = vector.shape_cast %slice3A_5 : vector<1x512x1xf32> to vector<512x1xf32>
    %add3A_7 = arith.addf %add3A_4, %squeeze3A_6 : vector<512x1xf32>
    %rsqrt3A = math.rsqrt %add3A_7 : vector<512x1xf32>
    %get3A_8 = arith.constant 0 : index
    %get3A_9 = arith.constant 0 : index
    %get3A_10 = vector.load %arg2[%get3A_8, %get3A_9] : memref<512x128xf32, #tpu.memory_space<vmem>>, vector<512x128xf32>
    %mul3A = vector.broadcast %rsqrt3A : vector<512x1xf32> to vector<512x128xf32>
    %mul3A_11 = arith.mulf %get3A_10, %mul3A : vector<512x128xf32>
    %broadcast_in_dim3A = vector.shape_cast %mul3A_11 : vector<512x128xf32> to vector<1x512x128xf32>
    %swap3A = arith.constant 0 : index
    %swap3A_12 = arith.constant 0 : index
    %swap3A_13 = arith.constant 0 : index
    %swap3A_14 = vector.load %arg4[%swap3A, %swap3A_12, %swap3A_13] : memref<1x512x128xf32, #tpu.memory_space<vmem>>, vector<1x512x128xf32>
    tpu.vector_store %arg4[%swap3A, %swap3A_12, %swap3A_13], %broadcast_in_dim3A {strides = array<i32>} : memref<1x512x128xf32, #tpu.memory_space<vmem>>, vector<1x512x128xf32>,
    return
  }
  func.func @transform_0(%arg0: i32, %arg1: i32) -> (i32, i32) {
    %c0_i32 = arith.constant 0 : i32
    return %arg0, %arg1 : i32, i32
  }
  func.func @transform_1(%arg0: i32, %arg1: i32) -> (i32, i32, i32) {
    %c0_i32 = arith.constant 0 : i32
    %c0_i32_0 = arith.constant 0 : i32
    %c0_i32_1 = arith.constant 0 : i32
    return %c0_i32, %arg0, %c0_i32_0 : i32, i32, i32
  }
  func.func @transform_2(%arg0: i32, %arg1: i32) -> (i32, i32, i32) {
    %c0_i32 = arith.constant 0 : i32
    %c0_i32_0 = arith.constant 0 : i32
    return %arg1, %arg0, %c0_i32 : i32, i32, i32
  }
}

module attributes {stable_mosaic.version = 14 : i64} {
  func.func @_tc2_body(%arg0: i32, %arg1: i32, %arg2: memref<2x512x128xf32, #tpu.memory_space<vmem>>, %arg3: memref<2x512x128xf32, #tpu.memory_space<vmem>>, %arg4: memref<1x256xf32, #tpu.memory_space<vmem>>, %arg5: memref<256x128xf32, #tpu.memory_space<vmem>>, %arg6: memref<1x512x128xf32, #tpu.memory_space<vmem>>) attributes {dimension_semantics = [#tpu.dimension_semantics<arbitrary>, #tpu.dimension_semantics<arbitrary>], iteration_bounds = array<i64: 20, 2>, scalar_prefetch = 0 : i64, scratch_operands = 0 : i64, tpu.core_type = #tpu.core_type<tc>, window_params = [{transform_indices = @transform_0, window_bounds = array<i64: 2, 512, 128>}, {transform_indices = @transform_1, window_bounds = array<i64: 2, 512, 128>}, {pipeline_mode = #tpu.pipeline_mode<synchronous>, transform_indices = @transform_2, window_bounds = array<i64: 1, 256>}, {transform_indices = @transform_3, window_bounds = array<i64: 256, 128>}, {transform_indices = @transform_4, window_bounds = array<i64: 1, 512, 128>}]} {
    %get3A = arith.constant 0 : index
    %get3A_0 = arith.constant 0 : index
    %get3A_1 = arith.constant 0 : index
    %get3A_2 = vector.load %arg3[%get3A, %get3A_0, %get3A_1] : memref<2x512x128xf32, #tpu.memory_space<vmem>>, vector<2x512x128xf32>
    %slice3A = vector.extract_strided_slice %get3A_2 {offsets = [0, 0, 0], sizes = [1, 512, 1], strides = [1, 1, 1]} : vector<2x512x128xf32> to vector<1x512x1xf32>
    %squeeze3A = vector.shape_cast %slice3A : vector<1x512x1xf32> to vector<512x1xf32>
    %add3A = arith.constant 1.000000e+00 : f32
    %add3A_3 = vector.broadcast %add3A : f32 to vector<512x1xf32>
    %add3A_4 = arith.addf %add3A_3, %squeeze3A : vector<512x1xf32>
    %slice3A_5 = vector.extract_strided_slice %get3A_2 {offsets = [1, 0, 0], sizes = [1, 512, 1], strides = [1, 1, 1]} : vector<2x512x128xf32> to vector<1x512x1xf32>
    %squeeze3A_6 = vector.shape_cast %slice3A_5 : vector<1x512x1xf32> to vector<512x1xf32>
    %add3A_7 = arith.addf %add3A_4, %squeeze3A_6 : vector<512x1xf32>
    %rsqrt3A = math.rsqrt %add3A_7 : vector<512x1xf32>
    %get3A_8 = arith.constant 0 : index
    %get3A_9 = arith.constant 0 : index
    %get3A_10 = arith.constant 0 : index
    %get3A_11 = vector.load %arg2[%get3A_8, %get3A_9, %get3A_10] : memref<2x512x128xf32, #tpu.memory_space<vmem>>, vector<2x512x128xf32>
    %slice3A_12 = vector.extract_strided_slice %get3A_11 {offsets = [0, 0, 0], sizes = [1, 512, 128], strides = [1, 1, 1]} : vector<2x512x128xf32> to vector<1x512x128xf32>
    %squeeze3A_13 = vector.shape_cast %slice3A_12 : vector<1x512x128xf32> to vector<512x128xf32>
    %slice3A_14 = vector.extract_strided_slice %get3A_11 {offsets = [1, 0, 0], sizes = [1, 512, 128], strides = [1, 1, 1]} : vector<2x512x128xf32> to vector<1x512x128xf32>
    %squeeze3A_15 = vector.shape_cast %slice3A_14 : vector<1x512x128xf32> to vector<512x128xf32>
    %concatenate3A = tpu.concatenate %squeeze3A_13, %squeeze3A_15 in 1 : vector<512x128xf32>, vector<512x128xf32> -> vector<512x256xf32>
    %mul3A = vector.broadcast %rsqrt3A : vector<512x1xf32> to vector<512x256xf32>
    %mul3A_16 = arith.mulf %concatenate3A, %mul3A : vector<512x256xf32>
    %get3A_17 = arith.constant 0 : index
    %get3A_18 = arith.constant 0 : index
    %get3A_19 = vector.load %arg4[%get3A_17, %get3A_18] : memref<1x256xf32, #tpu.memory_space<vmem>>, vector<1x256xf32>
    %add3A_20 = vector.broadcast %get3A_19 : vector<1x256xf32> to vector<512x256xf32>
    %add3A_21 = arith.addf %mul3A_16, %add3A_20 : vector<512x256xf32>
    %max3A = arith.constant 0.000000e+00 : f32
    %max3A_22 = vector.broadcast %max3A : f32 to vector<512x256xf32>
    %max3A_23 = arith.maximumf %add3A_21, %max3A_22 : vector<512x256xf32>
    %get3A_24 = arith.constant 0 : index
    %get3A_25 = arith.constant 0 : index
    %get3A_26 = vector.load %arg5[%get3A_24, %get3A_25] : memref<256x128xf32, #tpu.memory_space<vmem>>, vector<256x128xf32>
    %dot_general3A = arith.constant dense<0.000000e+00> : vector<512x128xf32>
    %dot_general3A_27 = tpu.matmul %max3A_23, %get3A_26, %dot_general3A {dimension_numbers = #tpu.dot_dimension_numbers<[1], [0], [0], [1], [0, 0, 1, 1], [], []>, transpose_lhs_hint = false} : vector<512x256xf32>, vector<256x128xf32>, vector<512x128xf32> -> vector<512x128xf32>
    %mul3A_28 = vector.broadcast %rsqrt3A : vector<512x1xf32> to vector<512x128xf32>
    %mul3A_29 = arith.mulf %dot_general3A_27, %mul3A_28 : vector<512x128xf32>
    %broadcast_in_dim3A = vector.shape_cast %mul3A_29 : vector<512x128xf32> to vector<1x512x128xf32>
    %swap3A = arith.constant 0 : index
    %swap3A_30 = arith.constant 0 : index
    %swap3A_31 = arith.constant 0 : index
    %swap3A_32 = vector.load %arg6[%swap3A, %swap3A_30, %swap3A_31] : memref<1x512x128xf32, #tpu.memory_space<vmem>>, vector<1x512x128xf32>
    tpu.vector_store %arg6[%swap3A, %swap3A_30, %swap3A_31], %broadcast_in_dim3A {strides = array<i32>} : memref<1x512x128xf32, #tpu.memory_space<vmem>>, vector<1x512x128xf32>,
    return
  }
  func.func @transform_0(%arg0: i32, %arg1: i32) -> (i32, i32, i32) {
    %c0_i32 = arith.constant 0 : i32
    %c0_i32_0 = arith.constant 0 : i32
    %c0_i32_1 = arith.constant 0 : i32
    return %c0_i32, %arg0, %c0_i32_0 : i32, i32, i32
  }
  func.func @transform_1(%arg0: i32, %arg1: i32) -> (i32, i32, i32) {
    %c0_i32 = arith.constant 0 : i32
    %c0_i32_0 = arith.constant 0 : i32
    %c0_i32_1 = arith.constant 0 : i32
    return %c0_i32, %arg0, %c0_i32_0 : i32, i32, i32
  }
  func.func @transform_2(%arg0: i32, %arg1: i32) -> (i32, i32) {
    %c0_i32 = arith.constant 0 : i32
    %c0_i32_0 = arith.constant 0 : i32
    %c0_i32_1 = arith.constant 0 : i32
    return %c0_i32, %c0_i32_0 : i32, i32
  }
  func.func @transform_3(%arg0: i32, %arg1: i32) -> (i32, i32) {
    %c0_i32 = arith.constant 0 : i32
    %c0_i32_0 = arith.constant 0 : i32
    return %c0_i32, %arg1 : i32, i32
  }
  func.func @transform_4(%arg0: i32, %arg1: i32) -> (i32, i32, i32) {
    %c0_i32 = arith.constant 0 : i32
    %c0_i32_0 = arith.constant 0 : i32
    return %arg1, %arg0, %c0_i32 : i32, i32, i32
  }
}

module attributes {stable_mosaic.version = 14 : i64} {
  func.func @_tc3_body(%arg0: i32, %arg1: memref<2x512x128xf32, #tpu.memory_space<vmem>>, %arg2: memref<2x512x128xf32, #tpu.memory_space<vmem>>, %arg3: memref<1x256xf32, #tpu.memory_space<vmem>>, %arg4: memref<1x512xi32, #tpu.memory_space<vmem>>, %arg5: memref<256x128xf32, #tpu.memory_space<vmem>>, %arg6: memref<1x128xf32, #tpu.memory_space<vmem>>, %arg7: memref<256x128xf32, #tpu.memory_space<vmem>>, %arg8: memref<256x256xf32, #tpu.memory_space<vmem>>, %arg9: memref<256x128xf32, #tpu.memory_space<vmem>>) attributes {dimension_semantics = [#tpu.dimension_semantics<arbitrary>], iteration_bounds = array<i64: 20>, scalar_prefetch = 0 : i64, scratch_operands = 2 : i64, tpu.core_type = #tpu.core_type<tc>, window_params = [{transform_indices = @transform_0, window_bounds = array<i64: 2, 512, 128>}, {transform_indices = @transform_1, window_bounds = array<i64: 2, 512, 128>}, {pipeline_mode = #tpu.pipeline_mode<synchronous>, transform_indices = @transform_2, window_bounds = array<i64: 1, 256>}, {transform_indices = @transform_3, window_bounds = array<i64: 1, 512>}, {pipeline_mode = #tpu.pipeline_mode<synchronous>, transform_indices = @transform_4, window_bounds = array<i64: 256, 128>}, {pipeline_mode = #tpu.pipeline_mode<synchronous>, transform_indices = @transform_5, window_bounds = array<i64: 1, 128>}, {pipeline_mode = #tpu.pipeline_mode<synchronous>, transform_indices = @transform_6, window_bounds = array<i64: 256, 128>}]} {
    %eq3A = arith.constant 0 : i32
    %eq3A_0 = arith.cmpi eq, %arg0, %eq3A : i32
    %convert_element_type3A = arith.extui %eq3A_0 : i1 to i32
    %cond3A = arith.constant 0 : i32
    %cond3A_1 = arith.cmpi ne, %convert_element_type3A, %cond3A : i32
    scf.if %cond3A_1 {
      %broadcast_in_dim3A_54 = arith.constant 0.000000e+00 : f32
      %broadcast_in_dim3A_55 = vector.broadcast %broadcast_in_dim3A_54 : f32 to vector<256x256xf32>
      %swap3A_56 = arith.constant 0 : index
      %swap3A_57 = arith.constant 0 : index
      %swap3A_58 = vector.load %arg8[%swap3A_56, %swap3A_57] : memref<256x256xf32, #tpu.memory_space<vmem>>, vector<256x256xf32>
      tpu.vector_store %arg8[%swap3A_56, %swap3A_57], %broadcast_in_dim3A_55 {strides = array<i32>} : memref<256x256xf32, #tpu.memory_space<vmem>>, vector<256x256xf32>,
      %broadcast_in_dim3A_59 = arith.constant 0.000000e+00 : f32
      %broadcast_in_dim3A_60 = vector.broadcast %broadcast_in_dim3A_59 : f32 to vector<256x128xf32>
      %swap3A_61 = arith.constant 0 : index
      %swap3A_62 = arith.constant 0 : index
      %swap3A_63 = vector.load %arg9[%swap3A_61, %swap3A_62] : memref<256x128xf32, #tpu.memory_space<vmem>>, vector<256x128xf32>
      tpu.vector_store %arg9[%swap3A_61, %swap3A_62], %broadcast_in_dim3A_60 {strides = array<i32>} : memref<256x128xf32, #tpu.memory_space<vmem>>, vector<256x128xf32>,
    } else {
    }
    %get3A = arith.constant 0 : index
    %get3A_2 = arith.constant 0 : index
    %get3A_3 = arith.constant 0 : index
    %get3A_4 = vector.load %arg2[%get3A, %get3A_2, %get3A_3] : memref<2x512x128xf32, #tpu.memory_space<vmem>>, vector<2x512x128xf32>
    %slice3A = vector.extract_strided_slice %get3A_4 {offsets = [0, 0, 0], sizes = [1, 512, 1], strides = [1, 1, 1]} : vector<2x512x128xf32> to vector<1x512x1xf32>
    %squeeze3A = vector.shape_cast %slice3A : vector<1x512x1xf32> to vector<512x1xf32>
    %add3A = arith.constant 1.000000e+00 : f32
    %add3A_5 = vector.broadcast %add3A : f32 to vector<512x1xf32>
    %add3A_6 = arith.addf %add3A_5, %squeeze3A : vector<512x1xf32>
    %slice3A_7 = vector.extract_strided_slice %get3A_4 {offsets = [1, 0, 0], sizes = [1, 512, 1], strides = [1, 1, 1]} : vector<2x512x128xf32> to vector<1x512x1xf32>
    %squeeze3A_8 = vector.shape_cast %slice3A_7 : vector<1x512x1xf32> to vector<512x1xf32>
    %add3A_9 = arith.addf %add3A_6, %squeeze3A_8 : vector<512x1xf32>
    %rsqrt3A = math.rsqrt %add3A_9 : vector<512x1xf32>
    %get3A_10 = arith.constant 0 : index
    %get3A_11 = arith.constant 0 : index
    %get3A_12 = arith.constant 0 : index
    %get3A_13 = vector.load %arg1[%get3A_10, %get3A_11, %get3A_12] : memref<2x512x128xf32, #tpu.memory_space<vmem>>, vector<2x512x128xf32>
    %slice3A_14 = vector.extract_strided_slice %get3A_13 {offsets = [0, 0, 0], sizes = [1, 512, 128], strides = [1, 1, 1]} : vector<2x512x128xf32> to vector<1x512x128xf32>
    %squeeze3A_15 = vector.shape_cast %slice3A_14 : vector<1x512x128xf32> to vector<512x128xf32>
    %slice3A_16 = vector.extract_strided_slice %get3A_13 {offsets = [1, 0, 0], sizes = [1, 512, 128], strides = [1, 1, 1]} : vector<2x512x128xf32> to vector<1x512x128xf32>
    %squeeze3A_17 = vector.shape_cast %slice3A_16 : vector<1x512x128xf32> to vector<512x128xf32>
    %concatenate3A = tpu.concatenate %squeeze3A_15, %squeeze3A_17 in 1 : vector<512x128xf32>, vector<512x128xf32> -> vector<512x256xf32>
    %mul3A = vector.broadcast %rsqrt3A : vector<512x1xf32> to vector<512x256xf32>
    %mul3A_18 = arith.mulf %concatenate3A, %mul3A : vector<512x256xf32>
    %get3A_19 = arith.constant 0 : index
    %get3A_20 = arith.constant 0 : index
    %get3A_21 = vector.load %arg3[%get3A_19, %get3A_20] : memref<1x256xf32, #tpu.memory_space<vmem>>, vector<1x256xf32>
    %add3A_22 = vector.broadcast %get3A_21 : vector<1x256xf32> to vector<512x256xf32>
    %add3A_23 = arith.addf %mul3A_18, %add3A_22 : vector<512x256xf32>
    %max3A = arith.constant 0.000000e+00 : f32
    %max3A_24 = vector.broadcast %max3A : f32 to vector<512x256xf32>
    %max3A_25 = arith.maximumf %add3A_23, %max3A_24 : vector<512x256xf32>
    %iota3A = tpu.iota {dimensions = array<i32: 0>} : vector<256x512xi32>
    %get3A_26 = arith.constant 0 : index
    %get3A_27 = arith.constant 0 : index
    %get3A_28 = vector.load %arg4[%get3A_26, %get3A_27] : memref<1x512xi32, #tpu.memory_space<vmem>>, vector<1x512xi32>
    %eq3A_29 = vector.broadcast %get3A_28 : vector<1x512xi32> to vector<256x512xi32>
    %eq3A_30 = arith.cmpi eq, %iota3A, %eq3A_29 : vector<256x512xi32>
    %convert_element_type3A_31 = arith.extui %eq3A_30 : vector<256x512xi1> to vector<256x512xi32>
    %convert_element_type3A_32 = arith.sitofp %convert_element_type3A_31 : vector<256x512xi32> to vector<256x512xf32>
    %get3A_33 = arith.constant 0 : index
    %get3A_34 = arith.constant 0 : index
    %get3A_35 = vector.load %arg8[%get3A_33, %get3A_34] : memref<256x256xf32, #tpu.memory_space<vmem>>, vector<256x256xf32>
    %dot_general3A = arith.constant dense<0.000000e+00> : vector<256x256xf32>
    %dot_general3A_36 = tpu.matmul %convert_element_type3A_32, %max3A_25, %dot_general3A {dimension_numbers = #tpu.dot_dimension_numbers<[1], [0], [0], [1], [0, 0, 1, 1], [], []>, transpose_lhs_hint = false} : vector<256x512xf32>, vector<512x256xf32>, vector<256x256xf32> -> vector<256x256xf32>
    %add3A_37 = arith.addf %get3A_35, %dot_general3A_36 : vector<256x256xf32>
    %swap3A = arith.constant 0 : index
    %swap3A_38 = arith.constant 0 : index
    %swap3A_39 = vector.load %arg8[%swap3A, %swap3A_38] : memref<256x256xf32, #tpu.memory_space<vmem>>, vector<256x256xf32>
    tpu.vector_store %arg8[%swap3A, %swap3A_38], %add3A_37 {strides = array<i32>} : memref<256x256xf32, #tpu.memory_space<vmem>>, vector<256x256xf32>,
    %get3A_40 = arith.constant 0 : index
    %get3A_41 = arith.constant 0 : index
    %get3A_42 = vector.load %arg9[%get3A_40, %get3A_41] : memref<256x128xf32, #tpu.memory_space<vmem>>, vector<256x128xf32>
    %reduce_sum3A = arith.constant dense<0.000000e+00> : vector<256xf32>
    %reduce_sum3A_43 = vector.multi_reduction <add>, %convert_element_type3A_32, %reduce_sum3A [1] : vector<256x512xf32> to vector<256xf32>
    %broadcast_in_dim3A = vector.shape_cast %reduce_sum3A_43 : vector<256xf32> to vector<256x1xf32>
    %add3A_44 = vector.broadcast %broadcast_in_dim3A : vector<256x1xf32> to vector<256x128xf32>
    %add3A_45 = arith.addf %get3A_42, %add3A_44 : vector<256x128xf32>
    %swap3A_46 = arith.constant 0 : index
    %swap3A_47 = arith.constant 0 : index
    %swap3A_48 = vector.load %arg9[%swap3A_46, %swap3A_47] : memref<256x128xf32, #tpu.memory_space<vmem>>, vector<256x128xf32>
    tpu.vector_store %arg9[%swap3A_46, %swap3A_47], %add3A_45 {strides = array<i32>} : memref<256x128xf32, #tpu.memory_space<vmem>>, vector<256x128xf32>,
    %eq3A_49 = arith.constant 19 : i32
    %eq3A_50 = arith.cmpi eq, %arg0, %eq3A_49 : i32
    %convert_element_type3A_51 = arith.extui %eq3A_50 : i1 to i32
    %cond3A_52 = arith.constant 0 : i32
    %cond3A_53 = arith.cmpi ne, %convert_element_type3A_51, %cond3A_52 : i32
    scf.if %cond3A_53 {
      %get3A_54 = arith.constant 0 : index
      %get3A_55 = arith.constant 0 : index
      %get3A_56 = vector.load %arg8[%get3A_54, %get3A_55] : memref<256x256xf32, #tpu.memory_space<vmem>>, vector<256x256xf32>
      %get3A_57 = arith.constant 0 : index
      %get3A_58 = arith.constant 0 : index
      %get3A_59 = vector.load %arg9[%get3A_57, %get3A_58] : memref<256x128xf32, #tpu.memory_space<vmem>>, vector<256x1xf32>
      %max3A_60 = arith.constant 1.000000e+00 : f32
      %max3A_61 = vector.broadcast %max3A_60 : f32 to vector<256x1xf32>
      %max3A_62 = arith.maximumf %get3A_59, %max3A_61 : vector<256x1xf32>
      %div3A = vector.broadcast %max3A_62 : vector<256x1xf32> to vector<256x256xf32>
      %div3A_63 = arith.divf %get3A_56, %div3A : vector<256x256xf32>
      %get3A_64 = arith.constant 0 : index
      %get3A_65 = arith.constant 0 : index
      %get3A_66 = vector.load %arg5[%get3A_64, %get3A_65] : memref<256x128xf32, #tpu.memory_space<vmem>>, vector<256x128xf32>
      %dot_general3A_67 = arith.constant dense<0.000000e+00> : vector<256x128xf32>
      %dot_general3A_68 = tpu.matmul %div3A_63, %get3A_66, %dot_general3A_67 {dimension_numbers = #tpu.dot_dimension_numbers<[1], [0], [0], [1], [0, 0, 1, 1], [], []>, transpose_lhs_hint = false} : vector<256x256xf32>, vector<256x128xf32>, vector<256x128xf32> -> vector<256x128xf32>
      %get3A_69 = arith.constant 0 : index
      %get3A_70 = arith.constant 0 : index
      %get3A_71 = vector.load %arg6[%get3A_69, %get3A_70] : memref<1x128xf32, #tpu.memory_space<vmem>>, vector<1x128xf32>
      %add3A_72 = vector.broadcast %get3A_71 : vector<1x128xf32> to vector<256x128xf32>
      %add3A_73 = arith.addf %dot_general3A_68, %add3A_72 : vector<256x128xf32>
      %swap3A_74 = arith.constant 0 : index
      %swap3A_75 = arith.constant 0 : index
      %swap3A_76 = vector.load %arg7[%swap3A_74, %swap3A_75] : memref<256x128xf32, #tpu.memory_space<vmem>>, vector<256x128xf32>
      tpu.vector_store %arg7[%swap3A_74, %swap3A_75], %add3A_73 {strides = array<i32>} : memref<256x128xf32, #tpu.memory_space<vmem>>, vector<256x128xf32>,
    } else {
    }
    return
  }
  func.func @transform_0(%arg0: i32) -> (i32, i32, i32) {
    %c0_i32 = arith.constant 0 : i32
    %c0_i32_0 = arith.constant 0 : i32
    %c0_i32_1 = arith.constant 0 : i32
    return %c0_i32, %arg0, %c0_i32_0 : i32, i32, i32
  }
  func.func @transform_1(%arg0: i32) -> (i32, i32, i32) {
    %c0_i32 = arith.constant 0 : i32
    %c0_i32_0 = arith.constant 0 : i32
    %c0_i32_1 = arith.constant 0 : i32
    return %c0_i32, %arg0, %c0_i32_0 : i32, i32, i32
  }
  func.func @transform_2(%arg0: i32) -> (i32, i32) {
    %c0_i32 = arith.constant 0 : i32
    %c0_i32_0 = arith.constant 0 : i32
    %c0_i32_1 = arith.constant 0 : i32
    return %c0_i32, %c0_i32_0 : i32, i32
  }
  func.func @transform_3(%arg0: i32) -> (i32, i32) {
    %c0_i32 = arith.constant 0 : i32
    %c0_i32_0 = arith.constant 0 : i32
    return %c0_i32, %arg0 : i32, i32
  }
  func.func @transform_4(%arg0: i32) -> (i32, i32) {
    %c0_i32 = arith.constant 0 : i32
    %c0_i32_0 = arith.constant 0 : i32
    %c0_i32_1 = arith.constant 0 : i32
    return %c0_i32, %c0_i32_0 : i32, i32
  }
  func.func @transform_5(%arg0: i32) -> (i32, i32) {
    %c0_i32 = arith.constant 0 : i32
    %c0_i32_0 = arith.constant 0 : i32
    %c0_i32_1 = arith.constant 0 : i32
    return %c0_i32, %c0_i32_0 : i32, i32
  }
  func.func @transform_6(%arg0: i32) -> (i32, i32) {
    %c0_i32 = arith.constant 0 : i32
    %c0_i32_0 = arith.constant 0 : i32
    %c0_i32_1 = arith.constant 0 : i32
    return %c0_i32, %c0_i32_0 : i32, i32
  }
}

</mosaic_0001>

<sc_bundles>
// kernel: kernel.12.cloned.1.call-start
scs
__scs_entry_jumppad:
0x0: {  	(pc) =	sbr.rel $0x88, $3  }
0x1: {  	(tag) =	ssettag $0x0;
	lr =	simm.s32 $0x1  }
0x2: {  	[smem:$0x3F98] =	sst lr;
	_ =	strace $0xD0000000  }
0x3: {  	_ = 	snop  }
0x4: {  	_ = 	snop  }
0x5: {  	_ = 	snop  }
0x6: {  	_ = 	snop  }
0x7: {  	_ = 	snop  }
__scs_overlays_trampoline_lowered:
0x8: {  	[smem:$0x3FA7] =	sst s0  }
0x9: {  	[smem:$0x3FA8] =	sst s1  }
0xa: {  	[smem:$0x3FA9] =	sst s2  }
0xb: {  	[smem:$0x3FAA] =	sst s3  }
0xc: {  	[smem:$0x3FAB] =	sst s4  }
0xd: {  	[smem:$0x3FAC] =	sst s5  }
0xe: {  	[smem:$0x3FAD] =	sst s6  }
0xf: {  	[smem:$0x3FAE] =	sst s7  }
0x10: {  	[smem:$0x3FAF] =	sst s8  }
0x11: {  	[smem:$0x3FB0] =	sst s9;
	s0 =	simm.s32 @!p0 $0x0  }
0x12: {  	s1 =	sld [smem:$0x3F96];
	s0 =	simm.s32 @p0 $0x1  }
0x13: {  	[smem:$0x3FB1] =	sst s0;
	s0 =	simm.s32 @!p1 $0x0  }
0x14: {  	s2 =	sld [smem:$0x3F95];
	s0 =	simm.s32 @p1 $0x1  }
0x15: {  	[smem:$0x3FB2] =	sst s0;
	s0 =	simm.s32 @!p2 $0x0  }
0x16: {  	s3 =	sld [smem:$0x3FDB];
	s0 =	simm.s32 @p2 $0x1  }
0x17: {  	s4 =	simm.s32 $0x1BF5;
	[smem:$0x3FB4] =	sst s0  }
0x18: {  	s0 =	sld [smem:$0x3F97];
	_ =	swait.ge [sflag:s4], $0x0  }
0x19: {  	s7 =	sld [smem:$0x3F98]  }
0x1a: {  	s8 =	sadd.s32 $0xFFFFE003, lr  }
0x1b: {  	s9 =	sadd.s32 $0xFFFFFEF7, lr;
	s5 =	simm.s32 $0xFFFFFFFF;
	p2 =	slt.u32 s8, $0xFFFFF086  }
0x1c: {  	p1 =	slt.u32 s9, $0xF7A;
	s5 =	simm.s32 @!p2 $0x0  }
0x1d: {  	s5 =	simm.s32 @p1 $0x1;
	p0 =	seq.s32 s7, s2  }
0x1e: {  	s7 =	smul.u32 @!p0 $0xF7A, s2;
	p2 =	seq.s32 @!p0 s5, $0x0  }
0x1f: {  	s9 =	smul.u32 $0xF7A, s1;
	s8 =	simm.s32 @!p0 $0x1BF5;
	p2 =	por !p2, p0  }
0x20: {  	[sflag:s8] =	ssyncset.s32 @!p0 $0xFFFFF086;
	s6 =	sadd.s32 @!p0 s3, s7;
	s7 =	simm.s32 @!p0 $0x108  }
0x21: {  	s3 =	sadd.s32 s3, s9;
	s6 =	sadd.s32 @!p0 $0x88, s6;
	s7 =	simm.s32 @p2 $0x1082  }
0x22: {  	[simem:s7], [sflag:s8] =	dma.local @!p0 [hbm:s6], $0xF7A  }
0x23: {  	s9 =	sor.u32 $0xD0000000, s2;
	s6 =	simm.s32 $0x108;
	_ =	swait.ge @!p0 [sflag:s8], $0x0  }
0x24: {  	s3 =	sadd.s32 $0x88, s3;
	s6 =	simm.s32 @!p1 $0x1082;
	[sflag:s4] =	ssyncset.s32 $0xFFFFF086  }
0x25: {  	[simem:s6], [sflag:s4] =	dma.local [hbm:s3], $0xF7A  }
0x26: {  	[smem:$0x3F98] =	sst s1;
	(tag) =	ssettag s2;
	_ =	strace s9  }
0x27: {  	s1 =	sld [smem:$0x3FA8]  }
0x28: {  	s2 =	sld [smem:$0x3FA9]  }
0x29: {  	s4 =	sld [smem:$0x3FAB]  }
0x2a: {  	p0 =	seq.s32 s5, $0x0;
	s5 =	sld [smem:$0x3FAC]  }
0x2b: {  	s6 =	sld [smem:$0x3FAD]  }
0x2c: {  	s7 =	sld [smem:$0x3FAE]  }
0x2d: {  	s3 =	simm.s32 $0x108;
	s8 =	sld [smem:$0x3FAF]  }
0x2e: {  	s3 =	simm.s32 @!p0 $0x1082;
	s9 =	sld [smem:$0x3FB0]  }
0x2f: {  	lr =	sadd.s32 s0, s3;
	s0 =	sld [smem:$0x3FA7]  }
0x30: {  	s3 =	sld [smem:$0x3FAA]  }
0x31: {  	[smem:$0x3FB3] =	sst s10  }
0x32: {  	s10 =	sld [smem:$0x3FB1];
	_ =	sdelay $0x3  }
0x33: {  	p0 =	seq.s32 s10, $0x1;
	s10 =	sld [smem:$0x3FB3];
	_ =	sdelay $0x3  }
0x34: {  	[smem:$0x3FB3] =	sst s10  }
0x35: {  	s10 =	sld [smem:$0x3FB2];
	_ =	sdelay $0x3  }
0x36: {  	p1 =	seq.s32 s10, $0x1;
	s10 =	sld [smem:$0x3FB3];
	_ =	sdelay $0x3  }
0x37: {  	[smem:$0x3FB3] =	sst s10  }
0x38: {  	s10 =	sld [smem:$0x3FB4]  }
0x39: {  	_ = 	snop;
	(pc) =	sbr.ind lr, $3  }
0x3a: {  	_ = 	snop  }
0x3b: {  	_ = 	snop  }
0x3c: {  	p2 =	seq.s32 s10, $0x1;
	s10 =	sld [smem:$0x3FB3]  }
0x3d: {  	_ =	shalt  }
0x3e: {  	_ =	shalt  }
0x3f: {  	_ =	shalt  }
0x40: {  	_ =	shalt  }
0x41: {  	_ =	shalt  }
0x42: {  	_ =	shalt  }
0x43: {  	_ =	shalt  }
0x44: {  	_ =	shalt  }
0x45: {  	_ =	shalt  }
0x46: {  	_ =	shalt  }
0x47: {  	_ =	shalt  }
0x48: {  	_ =	shalt  }
0x49: {  	_ =	shalt  }
0x4a: {  	_ =	shalt  }
0x4b: {  	_ =	shalt  }
0x4c: {  	_ =	shalt  }
0x4d: {  	_ =	shalt  }
0x4e: {  	_ =	shalt  }
0x4f: {  	_ =	shalt  }
0x50: {  	_ =	shalt  }
0x51: {  	_ =	shalt  }
0x52: {  	_ =	shalt  }
0x53: {  	_ =	shalt  }
0x54: {  	_ =	shalt  }
0x55: {  	_ =	shalt  }
0x56: {  	_ =	shalt  }
0x57: {  	_ =	shalt  }
0x58: {  	_ =	shalt  }
0x59: {  	_ =	shalt  }
0x5a: {  	_ =	shalt  }
0x5b: {  	_ =	shalt  }
0x5c: {  	_ =	shalt  }
0x5d: {  	_ =	shalt  }
0x5e: {  	_ =	shalt  }
0x5f: {  	_ =	shalt  }
0x60: {  	_ =	shalt  }
0x61: {  	_ =	shalt  }
0x62: {  	_ =	shalt  }
0x63: {  	_ =	shalt  }
0x64: {  	_ =	shalt  }
0x65: {  	_ =	shalt  }
0x66: {  	_ =	shalt  }
0x67: {  	_ =	shalt  }
0x68: {  	_ =	shalt  }
0x69: {  	_ =	shalt  }
0x6a: {  	_ =	shalt  }
0x6b: {  	_ =	shalt  }
0x6c: {  	_ =	shalt  }
0x6d: {  	_ =	shalt  }
0x6e: {  	_ =	shalt  }
0x6f: {  	_ =	shalt  }
0x70: {  	_ =	shalt  }
0x71: {  	_ =	shalt  }
0x72: {  	_ =	shalt  }
0x73: {  	_ =	shalt  }
0x74: {  	_ =	shalt  }
0x75: {  	_ =	shalt  }
0x76: {  	_ =	shalt  }
0x77: {  	_ =	shalt  }
0x78: {  	_ =	shalt  }
0x79: {  	_ =	shalt  }
0x7a: {  	_ =	shalt  }
0x7b: {  	_ =	shalt  }
0x7c: {  	_ =	shalt  }
0x7d: {  	_ =	shalt  }
0x7e: {  	_ =	shalt  }
0x7f: {  	_ =	shalt  }
0x80: {  	_ =	shalt  }
0x81: {  	_ =	shalt  }
0x82: {  	_ =	shalt  }
0x83: {  	_ =	shalt  }
0x84: {  	_ =	shalt  }
0x85: {  	_ =	shalt  }
0x86: {  	_ =	shalt  }
0x87: {  	_ =	shalt  }
.Lfunc_end0:
.L_simem_size_0:
called_computation.1_lowered:
.L_overlay_start_0:
0x88: {  	s2 =	sld [smem:$0x3FD9]  }
0x89: {  	s3 =	sld [smem:$0x3FFE];
	_ =	sdelay $0x1  }
0x8a: {  	s1 =	srdreg.scid  }
0x8b: {  	s0 =	sand.u32 $0x1, s1  }
0x8c: {  	s16 =	sshll.u32 s0, $0xA;
	s2 =	sadd.s32 s3, s2  }
0x8d: {  	s2 =	sadd.s32 s2, s16  }
0x8e: {  	[smem:$0x3FBF] =	sst s2  }
0x8f: {  	_ = 	snop  }
0x90: {  	(tm) =	ssettm $0x1  }
0x91: {  	s17 =	sld [smem:$0x3FFB];
	_ =	sdelay $0x3  }
0x92: {  	_ =	strace s17  }
0x93: {  	s2 =	sld [smem:$0x3FFC];
	_ =	sdelay $0x3  }
0x94: {  	_ =	strace s2  }
0x95: {  	s2 =	sld [smem:$0x3FFD];
	_ =	sdelay $0x3  }
0x96: {  	_ =	strace s2  }
0x97: {  	_ =	strace $0x8FFFFFFF  }
0x98: {  	s18 =	sld [smem:$0x3FDB];
	_ =	sdelay $0x1  }
0x99: {  	s19 =	simm.s32 $_scs_section_size  }
0x9a: {  	s4 =	simm.s32 $_size__tile_overlayer_lowered;
	s5 =	simm.s32 $_tile_overlayer_lowered  }
0x9b: {  	s22 =	simm.s32 $0x1BFF;
	s21 =	sshll.u32 s5, $0x1;
	s2 =	sadd.s32 s19, s18  }
0x9c: {  	s6 =	simm.s32 $0x0;
	s20 =	sshll.u32 s4, $0x1;
	s4 =	sadd.s32 s21, s2  }
0x9d: {  	[timem:s6], [sflag:s22] =	dma.local [hbm:s4], s20  }
0x9e: {  	_ =	swait.ge [sflag:s22], s20  }
0x9f: {  	s3 =	ssub.s32 $0x0, s20;
	[sflag:s22] =	ssyncset.done $0x0  }
0xa0: {  	[sflag:s22] =	ssyncadd.s32 s3;
	_ =	sdelay $0x1  }
0xa1: {  	s23 =	simm.s32 $0x1B8B  }
0xa2: {  	_ =	swait.ge [sflag:s23], $0x1  }
0xa3: {  	[sflag:s23] =	ssyncset.done $0x0  }
0xa4: {  	s25 =	simm.s32 $0x1B8E;
	s24 =	sld [smem:$0x3FFE];
	[sflag:s23] =	ssyncadd.s32 $0xFFFFFFFF  }
0xa5: {  	s26 =	simm.s32 $execute0_lowered;
	[smem:$0x3FD2] =	sst s25  }
0xa6: {  	s4 =	sshll.u32 s26, $0x1;
	_ =	strace $0x80000049;
	[dreg:$0x1] =	wrdreg $0xFFFFFFFF  }
0xa7: {  	s28 =	simm.s32 $_size_execute0_lowered;
	s2 =	sadd.s32 s2, s4;
	[dreg:$0x0] =	wrdreg $0x0  }
0xa8: {  	s4 =	sshll.u32 s28, $0x1;
	[dreg:$0x2] =	wrdreg s2  }
0xa9: {  	[dreg:$0x3] =	wrdreg s4  }
0xaa: {  	[dreg:$0x4] =	wrdreg $0xC0  }
0xab: {  	_ =	task [dreg:s6], $0x5FFFF  }
0xac: {  	[dreg:$0x1] =	wrdreg $0xFFFFFFFF  }
0xad: {  	[dreg:$0x0] =	wrdreg $0x60  }
0xae: {  	[dreg:$0x2] =	wrdreg s24  }
0xaf: {  	[dreg:$0x3] =	wrdreg $0xA0000  }
0xb0: {  	[dreg:$0x4] =	wrdreg $0x9  }
0xb1: {  	_ =	task.clear_ibuf [dreg:s6], $0x5FFFF;
	_ =	strace $0x90000049  }
0xb2: {  	s29 =	simm.s32 $0x9;
	_ =	strace $0x8000004B  }
0xb3: {  	_ =	swait.ge [sflag:s29], $0x1  }
0xb4: {  	[sflag:s29] =	ssyncadd.s32 $0xFFFFFFFF  }
0xb5: {  	_ =	strace $0x9000004B  }
0xb6: {  	_ =	sfence  }
0xb7: {  	s30 =	sld [smem:$0x0];
	_ =	sdelay $0x2  }
0xb8: {  	s31 =	sshll.u32 s1, $0xD;
	s1 =	sshrl.u32 s1, $0x2  }
0xb9: {  	s3 =	sand.u32 $0x4000, s31;
	s1 =	sadd.s32 s1, s30  }
0xba: {  	s0 =	sor.u32 s3, s0;
	s1 =	sshll.u32 s1, $0x11  }
0xbb: {  	s0 =	sor.u32 s1, s0  }
0xbc: {  	s0 =	sadd.s32 $0x8F2B, s0  }
0xbd: {  	[sflag:s0] =	ssyncadd.remote.s32 $0x1  }
0xbe: {  	_ =	sfence.sel $0xFFFF  }
0xbf: {  	[dreg:$0x0] =	wrdreg $0xFFFFFFFF;
	(pc) =	sbr.abs _section_cstart, $3  }
0xc0: {  	[dreg:$0x1] =	wrdreg $0xFFFFFFFF  }
0xc1: {  	_ =	task.clear_ibuf [dreg:s6], $0x2FFFF;
	_ =	strace $0x9FFFFFFF  }
0xc2: {  	(tm) =	ssettm $0x7FFFFFFF  }
0xc3: {  	_ =	shalt  }
tec
execute0_lowered:
.L_overlay_start_1:
0x0: {  	(tag) =	ssettag $0x1  }
0x1: {  	s7 =	rddreg [dreg:$0x0]  }
0x2: {  	s1 =	rddreg [dreg:$0x1];
	s2 =	srdreg.scid  }
0x3: {  	s0 =	rddreg [dreg:$0x2];
	s3 =	simm.s32 $0x0;
	s15 =	simm.s32 $0x1000  }
0x4: {  	s16 =	simm.s32 $0x80;
	s17 =	simm.s32 $0x2000;
	s18 =	simm.s32 $0x6000  }
0x5: {  	s19 =	simm.s32 $0x1;
	s20 =	simm.s32 $0x2;
	s21 =	simm.s32 $0xF80  }
0x6: {  	s22 =	simm.s32 $0x1F00;
	s8 =	sand.u32 $0x1, s2;
	s2 =	stileid.u32  }
0x7: {  	s23 =	simm.s32 $0x1F80;
	[smem:$0x7FF] =	sst s3;
	s9 =	smul.u32 $0x2800, s8  }
0x8: {  	s4 =	sadd.s32 $0x99800, s7;
	s5 =	sadd.s32 $0x85800, s7;
	s10 =	smul.u32 $0x280, s2  }
0x9: {  	s6 =	sadd.s32 $0x3000, s7;
	_ =	strace $0x8000004A;
	s11 =	smul.u32 $0x50000, s2  }
0xa: {  	s28 =	ssub.s32 $0x2, s8;
	s30 =	smul.u32 $0xA00, s8;
	s31 =	sshll.u32 s2, $0x6  }
0xb: {  	s13 =	sshrl.u32 s28, $0x1;
	s9 =	sadd.s32 s10, s9;
	s29 =	sshrl.u32 s11, $0x2  }
0xc: {  	s13 =	ssub.s32 s28, s13;
	s9 =	sshll.u32 s9, $0x4;
	s14 =	sadd.s32 s29, s1  }
0xd: {  	s12 =	sadd.s32 s9, s7;
	s7 =	smul.u32 $0xA0, s2;
	s8 =	sadd.s32 s4, s9  }
0xe: {  	s9 =	sor.u32 $0x1C03, s31;
	s11 =	sadd.s32 $0xE9800, s12;
	s12 =	smax.u32 s13, $0x1  }
0xf: {  	s13 =	sshrl.u32 s14, $0x3;
	s14 =	simm.s32 $0x3;
	s10 =	sadd.s32 s30, s7  }
.LBB2_1:
0x10: {  	[spmem:s13], [sflag:s9] =	dma.local [hbm:s8], $0x2800  }
0x11: {  	_ =	swait.ge [sflag:s14], $0x2800  }
0x12: {  	[sflag:s14] =	ssyncset.done $0x0  }
0x13: {  	[sflag:s14] =	ssyncadd.s32 $0xFFFFD800  }
0x14: {  	s24 =	simm.s32 $0x0;
	[bflag:$0x0] =	sbarrier.arrive $0xFFFF  }
.LBB2_2:
0x15: {  	s25 =	sshll.u32 s24, $0x5  }
0x16: {  	s26 =	sadd.s32 s10, s25  }
0x17: {  	s26 =	sshll.u32 s26, $0x4  }
0x18: {  	s28 =	simm.s32 $0x0;
	s26 =	sadd.s32 s5, s26  }
0x19: {  	[tilespmem:s28], [sflag:$0x3] =	stream.linear.gather [hbm4b:s26+s28], $0x1000, $0x38;
	[tilespmem:$0x1E000] =	vst v63  }
0x1a: {  	s25 =	sadd.s32 s7, s25;
	_ =	swait.ge [sflag:s14], $0x1000  }
0x1b: {  	s25 =	sshll.u32 s25, $0x4;
	[sflag:s14] =	ssyncset.done $0x0  }
0x1c: {  	s25 =	sadd.s32 s6, s25;
	[sflag:s14] =	ssyncadd.s32 $0xFFFFF000  }
0x1d: {  	[tilespmem:s15], [sflag:$0x3] =	stream.linear.gather [hbm4b:s25+s28], $0x1000, $0x38;
	[tilespmem:$0x1E000] =	vst v63  }
0x1e: {  	_ =	swait.ge [sflag:s14], $0x1000  }
0x1f: {  	[sflag:s14] =	ssyncset.done $0x0  }
0x20: {  	[sflag:s14] =	ssyncadd.s32 $0xFFFFF000  }
0x21: {  	[tilespmem:s17], [sflag:$0x1] =	stream.indirect.gather [hbm4b:s4+s16], $0x80, s28, s16, $0xb8;
	[tilespmem:$0x1E000] =	vst v63  }
0x22: {  	s28 =	simm.s32 $0x80  }
0x23: {  	[tilespmem:s18], [sflag:$0x2] =	stream.indirect.gather [hbm4b:s4+s16], $0x80, s28, s16, $0xb8;
	[tilespmem:$0x1E000] =	vst v63  }
0x24: {  	_ =	swait.ge [sflag:s19], $0x4000  }
0x25: {  	[sflag:s19] =	ssyncset.done $0x0  }
0x26: {  	s29 =	simm.s32 $0x1000;
	[sflag:s19] =	ssyncadd.s32 $0xFFFFC000  }
0x27: {  	[spmem:s1] =	stream.indirect.scatter.add.f32 [tilespmem:s17], [sflag:$0x3], $0x80, s29, s16, $0xb8;
	[tilespmem:$0x1E000] =	vst v63  }
0x28: {  	_ =	swait.ge [sflag:s14], $0x4000  }
0x29: {  	[sflag:s14] =	ssyncset.done $0x0  }
0x2a: {  	s30 =	simm.s32 $0x100;
	[sflag:s14] =	ssyncadd.s32 $0xFFFFC000  }
0x2b: {  	[tilespmem:s17], [sflag:$0x1] =	stream.indirect.gather [hbm4b:s4+s16], $0x80, s30, s16, $0xb8;
	[tilespmem:$0x1E000] =	vst v63  }
0x2c: {  	_ =	swait.ge [sflag:s20], $0x4000  }
0x2d: {  	[sflag:s20] =	ssyncset.done $0x0  }
0x2e: {  	s31 =	simm.s32 $0x1080;
	[sflag:s20] =	ssyncadd.s32 $0xFFFFC000  }
0x2f: {  	[spmem:s1] =	stream.indirect.scatter.add.f32 [tilespmem:s18], [sflag:$0x3], $0x80, s31, s16, $0xb8;
	[tilespmem:$0x1E000] =	vst v63  }
0x30: {  	_ =	swait.ge [sflag:s14], $0x4000  }
0x31: {  	s26 =	simm.s32 $0x800;
	s25 =	simm.s32 $0x100;
	[sflag:s14] =	ssyncset.done $0x0  }
.LBB2_3:
0x32: {  	s28 =	sadd.s32 $0x80, s25  }
0x33: {  	[sflag:s14] =	ssyncadd.s32 $0xFFFFC000;
	s29 =	smov.u32 s26;
	s30 =	sadd.s32 $0x400, s26  }
0x34: {  	[tilespmem:s18], [sflag:$0x2] =	stream.indirect.gather [hbm4b:s4+s16], $0x80, s28, s16, $0xb8;
	[tilespmem:$0x1E000] =	vst v63  }
0x35: {  	p0 =	sne.s32 s26, $0x3800;
	_ =	swait.ge [sflag:s19], $0x4000  }
0x36: {  	[sflag:s19] =	ssyncset.done $0x0  }
0x37: {  	s26 =	sadd.s32 $0x1000, s25;
	[sflag:s19] =	ssyncadd.s32 $0xFFFFC000  }
0x38: {  	[spmem:s1] =	stream.indirect.scatter.add.f32 [tilespmem:s17], [sflag:$0x3], $0x80, s26, s16, $0xb8;
	[tilespmem:$0x1E000] =	vst v63  }
0x39: {  	_ =	swait.ge [sflag:s14], $0x4000  }
0x3a: {  	[sflag:s14] =	ssyncset.done $0x0  }
0x3b: {  	s26 =	sadd.s32 $0x100, s25;
	[sflag:s14] =	ssyncadd.s32 $0xFFFFC000  }
0x3c: {  	[tilespmem:s17], [sflag:$0x1] =	stream.indirect.gather [hbm4b:s4+s16], $0x80, s26, s16, $0xb8;
	[tilespmem:$0x1E000] =	vst v63  }
0x3d: {  	_ =	swait.ge [sflag:s20], $0x4000  }
.Ltmp0:
0x3e: {  	[sflag:s20] =	ssyncset.done $0x0;
	(pc) =	sbr.rel @p0 .LBB2_3-.Ltmp0, $4  }
0x3f: {  	s25 =	sadd.s32 $0x1080, s25;
	[sflag:s20] =	ssyncadd.s32 $0xFFFFC000  }
0x40: {  	[spmem:s1] =	stream.indirect.scatter.add.f32 [tilespmem:s18], [sflag:$0x3], $0x80, s25, s16, $0xb8;
	[tilespmem:$0x1E000] =	vst v63  }
0x41: {  	_ =	swait.ge [sflag:s14], $0x4000  }
0x42: {  	s26 =	smov.u32 s30;
	s25 =	sshra.s32 s29, $0x2;
	[sflag:s14] =	ssyncset.done $0x0  }
0x43: {  	s26 =	sadd.s32 $0x80, s25;
	[sflag:s14] =	ssyncadd.s32 $0xFFFFC000  }
0x44: {  	[tilespmem:s18], [sflag:$0x2] =	stream.indirect.gather [hbm4b:s4+s16], $0x80, s26, s16, $0xb8;
	[tilespmem:$0x1E000] =	vst v63  }
0x45: {  	_ =	swait.ge [sflag:s19], $0x4000  }
0x46: {  	[sflag:s19] =	ssyncset.done $0x0  }
0x47: {  	s29 =	sadd.s32 $0x1000, s25;
	[sflag:s19] =	ssyncadd.s32 $0xFFFFC000  }
0x48: {  	[spmem:s1] =	stream.indirect.scatter.add.f32 [tilespmem:s17], [sflag:$0x3], $0x80, s29, s16, $0xb8;
	[tilespmem:$0x1E000] =	vst v63  }
0x49: {  	_ =	swait.ge [sflag:s14], $0x4000  }
0x4a: {  	[sflag:s14] =	ssyncset.done $0x0  }
0x4b: {  	s30 =	sadd.s32 $0x100, s25;
	[sflag:s14] =	ssyncadd.s32 $0xFFFFC000  }
0x4c: {  	[tilespmem:s17], [sflag:$0x1] =	stream.indirect.gather [hbm4b:s4+s16], $0x80, s30, s16, $0xb8;
	[tilespmem:$0x1E000] =	vst v63  }
0x4d: {  	_ =	swait.ge [sflag:s20], $0x4000  }
0x4e: {  	[sflag:s20] =	ssyncset.done $0x0  }
0x4f: {  	s31 =	sadd.s32 $0x1080, s25;
	[sflag:s20] =	ssyncadd.s32 $0xFFFFC000  }
0x50: {  	[spmem:s1] =	stream.indirect.scatter.add.f32 [tilespmem:s18], [sflag:$0x3], $0x80, s31, s16, $0xb8;
	[tilespmem:$0x1E000] =	vst v63  }
0x51: {  	_ =	swait.ge [sflag:s14], $0x4000  }
0x52: {  	[sflag:s14] =	ssyncset.done $0x0  }
0x53: {  	[sflag:s14] =	ssyncadd.s32 $0xFFFFC000  }
0x54: {  	[tilespmem:s18], [sflag:$0x2] =	stream.indirect.gather [hbm4b:s4+s16], $0x80, s21, s16, $0xb8;
	[tilespmem:$0x1E000] =	vst v63  }
0x55: {  	_ =	swait.ge [sflag:s19], $0x4000  }
0x56: {  	[sflag:s19] =	ssyncset.done $0x0  }
0x57: {  	[sflag:s19] =	ssyncadd.s32 $0xFFFFC000  }
0x58: {  	[spmem:s1] =	stream.indirect.scatter.add.f32 [tilespmem:s17], [sflag:$0x3], $0x80, s22, s16, $0xb8;
	[tilespmem:$0x1E000] =	vst v63  }
0x59: {  	_ =	swait.ge [sflag:s14], $0x4000  }
0x5a: {  	[sflag:s14] =	ssyncset.done $0x0  }
0x5b: {  	[sflag:s14] =	ssyncadd.s32 $0xFFFFC000  }
0x5c: {  	s24 =	sadd.s32 $0x1, s24;
	_ =	swait.ge [sflag:s20], $0x4000  }
0x5d: {  	p0 =	sne.s32 s24, $0x5;
	[sflag:s20] =	ssyncset.done $0x0  }
.Ltmp1:
0x5e: {  	[sflag:s20] =	ssyncadd.s32 $0xFFFFC000;
	(pc) =	sbr.rel @p0 .LBB2_2-.Ltmp1, $4  }
0x5f: {  	[spmem:s1] =	stream.indirect.scatter.add.f32 [tilespmem:s18], [sflag:$0x3], $0x80, s23, s16, $0xb8;
	[tilespmem:$0x1E000] =	vst v63  }
0x60: {  	_ =	swait.ge [sflag:s14], $0x4000  }
0x61: {  	[sflag:s14] =	ssyncset.done $0x0  }
0x62: {  	[sflag:s14] =	ssyncadd.s32 $0xFFFFC000  }
0x63: {  	s3 =	sadd.s32 $0x1, s3  }
0x64: {  	p0 =	sne.s32 s3, s12  }
.Ltmp2:
0x65: {  	[bflag:$0x0] =	sbarrier.arrive $0xFFFF;
	(pc) =	sbr.rel @p0 .LBB2_1-.Ltmp2, $4  }
0x66: {  	[hbm:s11], [sflag:s9] =	dma.local [spmem:s13], $0x2800  }
0x67: {  	_ =	swait.ge [sflag:s14], $0x2800  }
0x68: {  	[sflag:s14] =	ssyncset.done $0x0  }
0x69: {  	[sflag:s14] =	ssyncadd.s32 $0xFFFFD800  }
0x6a: {  	_ =	sfence.sel $0x180000  }
0x6b: {  	[bflag:$0x0] =	sbarrier.arrive $0xFFFF  }
0x6c: {  	p0 =	sne.s32 s2, $0x0;
	_ =	strace $0x9000004A  }
0x6d: {  	s0 =	sadd.s32 @!p0 $0x100000, s0;
	[bflag:$0x2] =	sbarrier.arrive $0xFFFF  }
0x6e: {  	[sflag:s0] =	ssyncadd.tile.s32 @!p0 $0x1;
	_ =	shalt  }
.Lfunc_end2:
_tile_overlayer_lowered:
.L_overlay_start_2:
0x6f: {  	(tag) =	ssettag $0x2  }
0x70: {  	s0 =	rddreg [dreg:$0x0];
	s2 =	stileid.u32  }
0x71: {  	s1 =	rddreg [dreg:$0x1];
	p0 =	sne.s32 s2, $0x0  }
0x72: {  	s3 =	rddreg [dreg:$0x2];
	[bflag:$0x3] =	sbarrier.arrive $0xFFFF;
	s2 =	simm.s32 @!p0 $0x1C03  }
0x73: {  	[timem:s3], [sflag:s2] =	dma.local @!p0 [hbm:s0], s1  }
0x74: {  	s0 =	simm.s32 @!p0 $0x3  }
0x75: {  	_ =	swait.ge @!p0 [sflag:s0], s1  }
0x76: {  	s1 =	ssub.s32 @!p0 $0x0, s1;
	[sflag:s0] =	ssyncset.done @!p0 $0x0  }
0x77: {  	[sflag:s0] =	ssyncadd.s32 @!p0 s1  }
0x78: {  	[bflag:$0x3] =	sbarrier.arrive $0xFFFF  }
0x79: {  	_ =	shalt  }

// kernel: kernel.15.cloned.1.call-start
scs
__scs_entry_jumppad:
0x0: {  	(pc) =	sbr.rel $0x88, $3  }
0x1: {  	(tag) =	ssettag $0x0;
	lr =	simm.s32 $0x1  }
0x2: {  	[smem:$0x3F98] =	sst lr;
	_ =	strace $0xD0000000  }
0x3: {  	_ = 	snop  }
0x4: {  	_ = 	snop  }
0x5: {  	_ = 	snop  }
0x6: {  	_ = 	snop  }
0x7: {  	_ = 	snop  }
__scs_overlays_trampoline_lowered:
0x8: {  	[smem:$0x3FA7] =	sst s0  }
0x9: {  	[smem:$0x3FA8] =	sst s1  }
0xa: {  	[smem:$0x3FA9] =	sst s2  }
0xb: {  	[smem:$0x3FAA] =	sst s3  }
0xc: {  	[smem:$0x3FAB] =	sst s4  }
0xd: {  	[smem:$0x3FAC] =	sst s5  }
0xe: {  	[smem:$0x3FAD] =	sst s6  }
0xf: {  	[smem:$0x3FAE] =	sst s7  }
0x10: {  	[smem:$0x3FAF] =	sst s8  }
0x11: {  	[smem:$0x3FB0] =	sst s9;
	s0 =	simm.s32 @!p0 $0x0  }
0x12: {  	s1 =	sld [smem:$0x3F96];
	s0 =	simm.s32 @p0 $0x1  }
0x13: {  	[smem:$0x3FB1] =	sst s0;
	s0 =	simm.s32 @!p1 $0x0  }
0x14: {  	s2 =	sld [smem:$0x3F95];
	s0 =	simm.s32 @p1 $0x1  }
0x15: {  	[smem:$0x3FB2] =	sst s0;
	s0 =	simm.s32 @!p2 $0x0  }
0x16: {  	s3 =	sld [smem:$0x3FDB];
	s0 =	simm.s32 @p2 $0x1  }
0x17: {  	s4 =	simm.s32 $0x1BF5;
	[smem:$0x3FB4] =	sst s0  }
0x18: {  	s0 =	sld [smem:$0x3F97];
	_ =	swait.ge [sflag:s4], $0x0  }
0x19: {  	s7 =	sld [smem:$0x3F98]  }
0x1a: {  	s8 =	sadd.s32 $0xFFFFE003, lr  }
0x1b: {  	s9 =	sadd.s32 $0xFFFFFEF7, lr;
	s5 =	simm.s32 $0xFFFFFFFF;
	p2 =	slt.u32 s8, $0xFFFFF086  }
0x1c: {  	p1 =	slt.u32 s9, $0xF7A;
	s5 =	simm.s32 @!p2 $0x0  }
0x1d: {  	s5 =	simm.s32 @p1 $0x1;
	p0 =	seq.s32 s7, s2  }
0x1e: {  	s7 =	smul.u32 @!p0 $0xF7A, s2;
	p2 =	seq.s32 @!p0 s5, $0x0  }
0x1f: {  	s9 =	smul.u32 $0xF7A, s1;
	s8 =	simm.s32 @!p0 $0x1BF5;
	p2 =	por !p2, p0  }
0x20: {  	[sflag:s8] =	ssyncset.s32 @!p0 $0xFFFFF086;
	s6 =	sadd.s32 @!p0 s3, s7;
	s7 =	simm.s32 @!p0 $0x108  }
0x21: {  	s3 =	sadd.s32 s3, s9;
	s6 =	sadd.s32 @!p0 $0x88, s6;
	s7 =	simm.s32 @p2 $0x1082  }
0x22: {  	[simem:s7], [sflag:s8] =	dma.local @!p0 [hbm:s6], $0xF7A  }
0x23: {  	s9 =	sor.u32 $0xD0000000, s2;
	s6 =	simm.s32 $0x108;
	_ =	swait.ge @!p0 [sflag:s8], $0x0  }
0x24: {  	s3 =	sadd.s32 $0x88, s3;
	s6 =	simm.s32 @!p1 $0x1082;
	[sflag:s4] =	ssyncset.s32 $0xFFFFF086  }
0x25: {  	[simem:s6], [sflag:s4] =	dma.local [hbm:s3], $0xF7A  }
0x26: {  	[smem:$0x3F98] =	sst s1;
	(tag) =	ssettag s2;
	_ =	strace s9  }
0x27: {  	s1 =	sld [smem:$0x3FA8]  }
0x28: {  	s2 =	sld [smem:$0x3FA9]  }
0x29: {  	s4 =	sld [smem:$0x3FAB]  }
0x2a: {  	p0 =	seq.s32 s5, $0x0;
	s5 =	sld [smem:$0x3FAC]  }
0x2b: {  	s6 =	sld [smem:$0x3FAD]  }
0x2c: {  	s7 =	sld [smem:$0x3FAE]  }
0x2d: {  	s3 =	simm.s32 $0x108;
	s8 =	sld [smem:$0x3FAF]  }
0x2e: {  	s3 =	simm.s32 @!p0 $0x1082;
	s9 =	sld [smem:$0x3FB0]  }
0x2f: {  	lr =	sadd.s32 s0, s3;
	s0 =	sld [smem:$0x3FA7]  }
0x30: {  	s3 =	sld [smem:$0x3FAA]  }
0x31: {  	[smem:$0x3FB3] =	sst s10  }
0x32: {  	s10 =	sld [smem:$0x3FB1];
	_ =	sdelay $0x3  }
0x33: {  	p0 =	seq.s32 s10, $0x1;
	s10 =	sld [smem:$0x3FB3];
	_ =	sdelay $0x3  }
0x34: {  	[smem:$0x3FB3] =	sst s10  }
0x35: {  	s10 =	sld [smem:$0x3FB2];
	_ =	sdelay $0x3  }
0x36: {  	p1 =	seq.s32 s10, $0x1;
	s10 =	sld [smem:$0x3FB3];
	_ =	sdelay $0x3  }
0x37: {  	[smem:$0x3FB3] =	sst s10  }
0x38: {  	s10 =	sld [smem:$0x3FB4]  }
0x39: {  	_ = 	snop;
	(pc) =	sbr.ind lr, $3  }
0x3a: {  	_ = 	snop  }
0x3b: {  	_ = 	snop  }
0x3c: {  	p2 =	seq.s32 s10, $0x1;
	s10 =	sld [smem:$0x3FB3]  }
0x3d: {  	_ =	shalt  }
0x3e: {  	_ =	shalt  }
0x3f: {  	_ =	shalt  }
0x40: {  	_ =	shalt  }
0x41: {  	_ =	shalt  }
0x42: {  	_ =	shalt  }
0x43: {  	_ =	shalt  }
0x44: {  	_ =	shalt  }
0x45: {  	_ =	shalt  }
0x46: {  	_ =	shalt  }
0x47: {  	_ =	shalt  }
0x48: {  	_ =	shalt  }
0x49: {  	_ =	shalt  }
0x4a: {  	_ =	shalt  }
0x4b: {  	_ =	shalt  }
0x4c: {  	_ =	shalt  }
0x4d: {  	_ =	shalt  }
0x4e: {  	_ =	shalt  }
0x4f: {  	_ =	shalt  }
0x50: {  	_ =	shalt  }
0x51: {  	_ =	shalt  }
0x52: {  	_ =	shalt  }
0x53: {  	_ =	shalt  }
0x54: {  	_ =	shalt  }
0x55: {  	_ =	shalt  }
0x56: {  	_ =	shalt  }
0x57: {  	_ =	shalt  }
0x58: {  	_ =	shalt  }
0x59: {  	_ =	shalt  }
0x5a: {  	_ =	shalt  }
0x5b: {  	_ =	shalt  }
0x5c: {  	_ =	shalt  }
0x5d: {  	_ =	shalt  }
0x5e: {  	_ =	shalt  }
0x5f: {  	_ =	shalt  }
0x60: {  	_ =	shalt  }
0x61: {  	_ =	shalt  }
0x62: {  	_ =	shalt  }
0x63: {  	_ =	shalt  }
0x64: {  	_ =	shalt  }
0x65: {  	_ =	shalt  }
0x66: {  	_ =	shalt  }
0x67: {  	_ =	shalt  }
0x68: {  	_ =	shalt  }
0x69: {  	_ =	shalt  }
0x6a: {  	_ =	shalt  }
0x6b: {  	_ =	shalt  }
0x6c: {  	_ =	shalt  }
0x6d: {  	_ =	shalt  }
0x6e: {  	_ =	shalt  }
0x6f: {  	_ =	shalt  }
0x70: {  	_ =	shalt  }
0x71: {  	_ =	shalt  }
0x72: {  	_ =	shalt  }
0x73: {  	_ =	shalt  }
0x74: {  	_ =	shalt  }
0x75: {  	_ =	shalt  }
0x76: {  	_ =	shalt  }
0x77: {  	_ =	shalt  }
0x78: {  	_ =	shalt  }
0x79: {  	_ =	shalt  }
0x7a: {  	_ =	shalt  }
0x7b: {  	_ =	shalt  }
0x7c: {  	_ =	shalt  }
0x7d: {  	_ =	shalt  }
0x7e: {  	_ =	shalt  }
0x7f: {  	_ =	shalt  }
0x80: {  	_ =	shalt  }
0x81: {  	_ =	shalt  }
0x82: {  	_ =	shalt  }
0x83: {  	_ =	shalt  }
0x84: {  	_ =	shalt  }
0x85: {  	_ =	shalt  }
0x86: {  	_ =	shalt  }
0x87: {  	_ =	shalt  }
.Lfunc_end0:
.L_simem_size_0:
called_computation.2_lowered:
.L_overlay_start_0:
0x88: {  	s2 =	sld [smem:$0x3FD9]  }
0x89: {  	s3 =	sld [smem:$0x3FFE];
	_ =	sdelay $0x1  }
0x8a: {  	s1 =	srdreg.scid  }
0x8b: {  	s0 =	sand.u32 $0x1, s1  }
0x8c: {  	s16 =	sshll.u32 s0, $0xA;
	s2 =	sadd.s32 s3, s2  }
0x8d: {  	s2 =	sadd.s32 s2, s16  }
0x8e: {  	[smem:$0x3FBF] =	sst s2  }
0x8f: {  	_ = 	snop  }
0x90: {  	(tm) =	ssettm $0x1  }
0x91: {  	s17 =	sld [smem:$0x3FFB];
	_ =	sdelay $0x3  }
0x92: {  	_ =	strace s17  }
0x93: {  	s2 =	sld [smem:$0x3FFC];
	_ =	sdelay $0x3  }
0x94: {  	_ =	strace s2  }
0x95: {  	s2 =	sld [smem:$0x3FFD];
	_ =	sdelay $0x3  }
0x96: {  	_ =	strace s2  }
0x97: {  	_ =	strace $0x8FFFFFFF  }
0x98: {  	s18 =	sld [smem:$0x3FDB];
	_ =	sdelay $0x1  }
0x99: {  	s19 =	simm.s32 $_scs_section_size  }
0x9a: {  	s4 =	simm.s32 $_size__tile_overlayer_lowered;
	s5 =	simm.s32 $_tile_overlayer_lowered  }
0x9b: {  	s22 =	simm.s32 $0x1BFF;
	s21 =	sshll.u32 s5, $0x1;
	s2 =	sadd.s32 s19, s18  }
0x9c: {  	s6 =	simm.s32 $0x0;
	s20 =	sshll.u32 s4, $0x1;
	s4 =	sadd.s32 s21, s2  }
0x9d: {  	[timem:s6], [sflag:s22] =	dma.local [hbm:s4], s20  }
0x9e: {  	_ =	swait.ge [sflag:s22], s20  }
0x9f: {  	s3 =	ssub.s32 $0x0, s20;
	[sflag:s22] =	ssyncset.done $0x0  }
0xa0: {  	[sflag:s22] =	ssyncadd.s32 s3;
	_ =	sdelay $0x1  }
0xa1: {  	s23 =	simm.s32 $0x1B8B  }
0xa2: {  	_ =	swait.ge [sflag:s23], $0x1  }
0xa3: {  	[sflag:s23] =	ssyncset.done $0x0  }
0xa4: {  	s25 =	simm.s32 $0x1B8E;
	s24 =	sld [smem:$0x3FFE];
	[sflag:s23] =	ssyncadd.s32 $0xFFFFFFFF  }
0xa5: {  	s26 =	simm.s32 $execute0_lowered;
	[smem:$0x3FD2] =	sst s25  }
0xa6: {  	s4 =	sshll.u32 s26, $0x1;
	_ =	strace $0x8000004C;
	[dreg:$0x1] =	wrdreg $0xFFFFFFFF  }
0xa7: {  	s28 =	simm.s32 $_size_execute0_lowered;
	s2 =	sadd.s32 s2, s4;
	[dreg:$0x0] =	wrdreg $0x0  }
0xa8: {  	s4 =	sshll.u32 s28, $0x1;
	[dreg:$0x2] =	wrdreg s2  }
0xa9: {  	[dreg:$0x3] =	wrdreg s4  }
0xaa: {  	[dreg:$0x4] =	wrdreg $0xC0  }
0xab: {  	_ =	task [dreg:s6], $0x5FFFF  }
0xac: {  	[dreg:$0x1] =	wrdreg $0xFFFFFFFF  }
0xad: {  	[dreg:$0x0] =	wrdreg $0x60  }
0xae: {  	[dreg:$0x2] =	wrdreg s24  }
0xaf: {  	[dreg:$0x3] =	wrdreg $0xA0000  }
0xb0: {  	[dreg:$0x4] =	wrdreg $0x9  }
0xb1: {  	_ =	task.clear_ibuf [dreg:s6], $0x5FFFF;
	_ =	strace $0x9000004C  }
0xb2: {  	s29 =	simm.s32 $0x9;
	_ =	strace $0x8000004E  }
0xb3: {  	_ =	swait.ge [sflag:s29], $0x1  }
0xb4: {  	[sflag:s29] =	ssyncadd.s32 $0xFFFFFFFF  }
0xb5: {  	_ =	strace $0x9000004E  }
0xb6: {  	_ =	sfence  }
0xb7: {  	s30 =	sld [smem:$0x0];
	_ =	sdelay $0x2  }
0xb8: {  	s31 =	sshll.u32 s1, $0xD;
	s1 =	sshrl.u32 s1, $0x2  }
0xb9: {  	s3 =	sand.u32 $0x4000, s31;
	s1 =	sadd.s32 s1, s30  }
0xba: {  	s0 =	sor.u32 s3, s0;
	s1 =	sshll.u32 s1, $0x11  }
0xbb: {  	s0 =	sor.u32 s1, s0  }
0xbc: {  	s0 =	sadd.s32 $0x8F2B, s0  }
0xbd: {  	[sflag:s0] =	ssyncadd.remote.s32 $0x1  }
0xbe: {  	_ =	sfence.sel $0xFFFF  }
0xbf: {  	[dreg:$0x0] =	wrdreg $0xFFFFFFFF;
	(pc) =	sbr.abs _section_cstart, $3  }
0xc0: {  	[dreg:$0x1] =	wrdreg $0xFFFFFFFF  }
0xc1: {  	_ =	task.clear_ibuf [dreg:s6], $0x2FFFF;
	_ =	strace $0x9FFFFFFF  }
0xc2: {  	(tm) =	ssettm $0x7FFFFFFF  }
0xc3: {  	_ =	shalt  }
tec
execute0_lowered:
.L_overlay_start_1:
0x0: {  	(tag) =	ssettag $0x1  }
0x1: {  	s7 =	rddreg [dreg:$0x0]  }
0x2: {  	s1 =	rddreg [dreg:$0x1];
	s2 =	srdreg.scid  }
0x3: {  	s0 =	rddreg [dreg:$0x2];
	s3 =	simm.s32 $0x0;
	s15 =	simm.s32 $0x1000  }
0x4: {  	s16 =	simm.s32 $0x80;
	s17 =	simm.s32 $0x2000;
	s18 =	simm.s32 $0x6000  }
0x5: {  	s19 =	simm.s32 $0x1;
	s20 =	simm.s32 $0x2;
	s21 =	simm.s32 $0xF80  }
0x6: {  	s22 =	simm.s32 $0x1F00;
	s8 =	sand.u32 $0x1, s2;
	s2 =	stileid.u32  }
0x7: {  	s23 =	simm.s32 $0x1F80;
	[smem:$0x7FF] =	sst s3;
	s9 =	smul.u32 $0x2800, s8  }
0x8: {  	s4 =	sadd.s32 $0x99800, s7;
	s5 =	sadd.s32 $0x85800, s7;
	s10 =	smul.u32 $0x280, s2  }
0x9: {  	s6 =	sadd.s32 $0x3000, s7;
	_ =	strace $0x8000004D;
	s11 =	smul.u32 $0x50000, s2  }
0xa: {  	s28 =	ssub.s32 $0x2, s8;
	s30 =	smul.u32 $0xA00, s8;
	s31 =	sshll.u32 s2, $0x6  }
0xb: {  	s13 =	sshrl.u32 s28, $0x1;
	s9 =	sadd.s32 s10, s9;
	s29 =	sshrl.u32 s11, $0x2  }
0xc: {  	s13 =	ssub.s32 s28, s13;
	s9 =	sshll.u32 s9, $0x4;
	s14 =	sadd.s32 s29, s1  }
0xd: {  	s12 =	sadd.s32 s9, s7;
	s7 =	smul.u32 $0xA0, s2;
	s8 =	sadd.s32 s4, s9  }
0xe: {  	s9 =	sor.u32 $0x1C03, s31;
	s11 =	sadd.s32 $0xE9800, s12;
	s12 =	smax.u32 s13, $0x1  }
0xf: {  	s13 =	sshrl.u32 s14, $0x3;
	s14 =	simm.s32 $0x3;
	s10 =	sadd.s32 s30, s7  }
.LBB2_1:
0x10: {  	[spmem:s13], [sflag:s9] =	dma.local [hbm:s8], $0x2800  }
0x11: {  	_ =	swait.ge [sflag:s14], $0x2800  }
0x12: {  	[sflag:s14] =	ssyncset.done $0x0  }
0x13: {  	[sflag:s14] =	ssyncadd.s32 $0xFFFFD800  }
0x14: {  	s24 =	simm.s32 $0x0;
	[bflag:$0x0] =	sbarrier.arrive $0xFFFF  }
.LBB2_2:
0x15: {  	s25 =	sshll.u32 s24, $0x5  }
0x16: {  	s26 =	sadd.s32 s10, s25  }
0x17: {  	s26 =	sshll.u32 s26, $0x4  }
0x18: {  	s28 =	simm.s32 $0x0;
	s26 =	sadd.s32 s5, s26  }
0x19: {  	[tilespmem:s28], [sflag:$0x3] =	stream.linear.gather [hbm4b:s26+s28], $0x1000, $0x38;
	[tilespmem:$0x1E000] =	vst v63  }
0x1a: {  	s25 =	sadd.s32 s7, s25;
	_ =	swait.ge [sflag:s14], $0x1000  }
0x1b: {  	s25 =	sshll.u32 s25, $0x4;
	[sflag:s14] =	ssyncset.done $0x0  }
0x1c: {  	s25 =	sadd.s32 s6, s25;
	[sflag:s14] =	ssyncadd.s32 $0xFFFFF000  }
0x1d: {  	[tilespmem:s15], [sflag:$0x3] =	stream.linear.gather [hbm4b:s25+s28], $0x1000, $0x38;
	[tilespmem:$0x1E000] =	vst v63  }
0x1e: {  	_ =	swait.ge [sflag:s14], $0x1000  }
0x1f: {  	[sflag:s14] =	ssyncset.done $0x0  }
0x20: {  	[sflag:s14] =	ssyncadd.s32 $0xFFFFF000  }
0x21: {  	[tilespmem:s17], [sflag:$0x1] =	stream.indirect.gather [hbm4b:s4+s16], $0x80, s28, s16, $0xb8;
	[tilespmem:$0x1E000] =	vst v63  }
0x22: {  	s28 =	simm.s32 $0x80  }
0x23: {  	[tilespmem:s18], [sflag:$0x2] =	stream.indirect.gather [hbm4b:s4+s16], $0x80, s28, s16, $0xb8;
	[tilespmem:$0x1E000] =	vst v63  }
0x24: {  	_ =	swait.ge [sflag:s19], $0x4000  }
0x25: {  	[sflag:s19] =	ssyncset.done $0x0  }
0x26: {  	s29 =	simm.s32 $0x1000;
	[sflag:s19] =	ssyncadd.s32 $0xFFFFC000  }
0x27: {  	[spmem:s1] =	stream.indirect.scatter.add.f32 [tilespmem:s17], [sflag:$0x3], $0x80, s29, s16, $0xb8;
	[tilespmem:$0x1E000] =	vst v63  }
0x28: {  	_ =	swait.ge [sflag:s14], $0x4000  }
0x29: {  	[sflag:s14] =	ssyncset.done $0x0  }
0x2a: {  	s30 =	simm.s32 $0x100;
	[sflag:s14] =	ssyncadd.s32 $0xFFFFC000  }
0x2b: {  	[tilespmem:s17], [sflag:$0x1] =	stream.indirect.gather [hbm4b:s4+s16], $0x80, s30, s16, $0xb8;
	[tilespmem:$0x1E000] =	vst v63  }
0x2c: {  	_ =	swait.ge [sflag:s20], $0x4000  }
0x2d: {  	[sflag:s20] =	ssyncset.done $0x0  }
0x2e: {  	s31 =	simm.s32 $0x1080;
	[sflag:s20] =	ssyncadd.s32 $0xFFFFC000  }
0x2f: {  	[spmem:s1] =	stream.indirect.scatter.add.f32 [tilespmem:s18], [sflag:$0x3], $0x80, s31, s16, $0xb8;
	[tilespmem:$0x1E000] =	vst v63  }
0x30: {  	_ =	swait.ge [sflag:s14], $0x4000  }
0x31: {  	s26 =	simm.s32 $0x800;
	s25 =	simm.s32 $0x100;
	[sflag:s14] =	ssyncset.done $0x0  }
.LBB2_3:
0x32: {  	s28 =	sadd.s32 $0x80, s25  }
0x33: {  	[sflag:s14] =	ssyncadd.s32 $0xFFFFC000;
	s29 =	smov.u32 s26;
	s30 =	sadd.s32 $0x400, s26  }
0x34: {  	[tilespmem:s18], [sflag:$0x2] =	stream.indirect.gather [hbm4b:s4+s16], $0x80, s28, s16, $0xb8;
	[tilespmem:$0x1E000] =	vst v63  }
0x35: {  	p0 =	sne.s32 s26, $0x3800;
	_ =	swait.ge [sflag:s19], $0x4000  }
0x36: {  	[sflag:s19] =	ssyncset.done $0x0  }
0x37: {  	s26 =	sadd.s32 $0x1000, s25;
	[sflag:s19] =	ssyncadd.s32 $0xFFFFC000  }
0x38: {  	[spmem:s1] =	stream.indirect.scatter.add.f32 [tilespmem:s17], [sflag:$0x3], $0x80, s26, s16, $0xb8;
	[tilespmem:$0x1E000] =	vst v63  }
0x39: {  	_ =	swait.ge [sflag:s14], $0x4000  }
0x3a: {  	[sflag:s14] =	ssyncset.done $0x0  }
0x3b: {  	s26 =	sadd.s32 $0x100, s25;
	[sflag:s14] =	ssyncadd.s32 $0xFFFFC000  }
0x3c: {  	[tilespmem:s17], [sflag:$0x1] =	stream.indirect.gather [hbm4b:s4+s16], $0x80, s26, s16, $0xb8;
	[tilespmem:$0x1E000] =	vst v63  }
0x3d: {  	_ =	swait.ge [sflag:s20], $0x4000  }
.Ltmp0:
0x3e: {  	[sflag:s20] =	ssyncset.done $0x0;
	(pc) =	sbr.rel @p0 .LBB2_3-.Ltmp0, $4  }
0x3f: {  	s25 =	sadd.s32 $0x1080, s25;
	[sflag:s20] =	ssyncadd.s32 $0xFFFFC000  }
0x40: {  	[spmem:s1] =	stream.indirect.scatter.add.f32 [tilespmem:s18], [sflag:$0x3], $0x80, s25, s16, $0xb8;
	[tilespmem:$0x1E000] =	vst v63  }
0x41: {  	_ =	swait.ge [sflag:s14], $0x4000  }
0x42: {  	s26 =	smov.u32 s30;
	s25 =	sshra.s32 s29, $0x2;
	[sflag:s14] =	ssyncset.done $0x0  }
0x43: {  	s26 =	sadd.s32 $0x80, s25;
	[sflag:s14] =	ssyncadd.s32 $0xFFFFC000  }
0x44: {  	[tilespmem:s18], [sflag:$0x2] =	stream.indirect.gather [hbm4b:s4+s16], $0x80, s26, s16, $0xb8;
	[tilespmem:$0x1E000] =	vst v63  }
0x45: {  	_ =	swait.ge [sflag:s19], $0x4000  }
0x46: {  	[sflag:s19] =	ssyncset.done $0x0  }
0x47: {  	s29 =	sadd.s32 $0x1000, s25;
	[sflag:s19] =	ssyncadd.s32 $0xFFFFC000  }
0x48: {  	[spmem:s1] =	stream.indirect.scatter.add.f32 [tilespmem:s17], [sflag:$0x3], $0x80, s29, s16, $0xb8;
	[tilespmem:$0x1E000] =	vst v63  }
0x49: {  	_ =	swait.ge [sflag:s14], $0x4000  }
0x4a: {  	[sflag:s14] =	ssyncset.done $0x0  }
0x4b: {  	s30 =	sadd.s32 $0x100, s25;
	[sflag:s14] =	ssyncadd.s32 $0xFFFFC000  }
0x4c: {  	[tilespmem:s17], [sflag:$0x1] =	stream.indirect.gather [hbm4b:s4+s16], $0x80, s30, s16, $0xb8;
	[tilespmem:$0x1E000] =	vst v63  }
0x4d: {  	_ =	swait.ge [sflag:s20], $0x4000  }
0x4e: {  	[sflag:s20] =	ssyncset.done $0x0  }
0x4f: {  	s31 =	sadd.s32 $0x1080, s25;
	[sflag:s20] =	ssyncadd.s32 $0xFFFFC000  }
0x50: {  	[spmem:s1] =	stream.indirect.scatter.add.f32 [tilespmem:s18], [sflag:$0x3], $0x80, s31, s16, $0xb8;
	[tilespmem:$0x1E000] =	vst v63  }
0x51: {  	_ =	swait.ge [sflag:s14], $0x4000  }
0x52: {  	[sflag:s14] =	ssyncset.done $0x0  }
0x53: {  	[sflag:s14] =	ssyncadd.s32 $0xFFFFC000  }
0x54: {  	[tilespmem:s18], [sflag:$0x2] =	stream.indirect.gather [hbm4b:s4+s16], $0x80, s21, s16, $0xb8;
	[tilespmem:$0x1E000] =	vst v63  }
0x55: {  	_ =	swait.ge [sflag:s19], $0x4000  }
0x56: {  	[sflag:s19] =	ssyncset.done $0x0  }
0x57: {  	[sflag:s19] =	ssyncadd.s32 $0xFFFFC000  }
0x58: {  	[spmem:s1] =	stream.indirect.scatter.add.f32 [tilespmem:s17], [sflag:$0x3], $0x80, s22, s16, $0xb8;
	[tilespmem:$0x1E000] =	vst v63  }
0x59: {  	_ =	swait.ge [sflag:s14], $0x4000  }
0x5a: {  	[sflag:s14] =	ssyncset.done $0x0  }
0x5b: {  	[sflag:s14] =	ssyncadd.s32 $0xFFFFC000  }
0x5c: {  	s24 =	sadd.s32 $0x1, s24;
	_ =	swait.ge [sflag:s20], $0x4000  }
0x5d: {  	p0 =	sne.s32 s24, $0x5;
	[sflag:s20] =	ssyncset.done $0x0  }
.Ltmp1:
0x5e: {  	[sflag:s20] =	ssyncadd.s32 $0xFFFFC000;
	(pc) =	sbr.rel @p0 .LBB2_2-.Ltmp1, $4  }
0x5f: {  	[spmem:s1] =	stream.indirect.scatter.add.f32 [tilespmem:s18], [sflag:$0x3], $0x80, s23, s16, $0xb8;
	[tilespmem:$0x1E000] =	vst v63  }
0x60: {  	_ =	swait.ge [sflag:s14], $0x4000  }
0x61: {  	[sflag:s14] =	ssyncset.done $0x0  }
0x62: {  	[sflag:s14] =	ssyncadd.s32 $0xFFFFC000  }
0x63: {  	s3 =	sadd.s32 $0x1, s3  }
0x64: {  	p0 =	sne.s32 s3, s12  }
.Ltmp2:
0x65: {  	[bflag:$0x0] =	sbarrier.arrive $0xFFFF;
	(pc) =	sbr.rel @p0 .LBB2_1-.Ltmp2, $4  }
0x66: {  	[hbm:s11], [sflag:s9] =	dma.local [spmem:s13], $0x2800  }
0x67: {  	_ =	swait.ge [sflag:s14], $0x2800  }
0x68: {  	[sflag:s14] =	ssyncset.done $0x0  }
0x69: {  	[sflag:s14] =	ssyncadd.s32 $0xFFFFD800  }
0x6a: {  	_ =	sfence.sel $0x180000  }
0x6b: {  	[bflag:$0x0] =	sbarrier.arrive $0xFFFF  }
0x6c: {  	p0 =	sne.s32 s2, $0x0;
	_ =	strace $0x9000004D  }
0x6d: {  	s0 =	sadd.s32 @!p0 $0x100000, s0;
	[bflag:$0x2] =	sbarrier.arrive $0xFFFF  }
0x6e: {  	[sflag:s0] =	ssyncadd.tile.s32 @!p0 $0x1;
	_ =	shalt  }
.Lfunc_end2:
_tile_overlayer_lowered:
.L_overlay_start_2:
0x6f: {  	(tag) =	ssettag $0x2  }
0x70: {  	s0 =	rddreg [dreg:$0x0];
	s2 =	stileid.u32  }
0x71: {  	s1 =	rddreg [dreg:$0x1];
	p0 =	sne.s32 s2, $0x0  }
0x72: {  	s3 =	rddreg [dreg:$0x2];
	[bflag:$0x3] =	sbarrier.arrive $0xFFFF;
	s2 =	simm.s32 @!p0 $0x1C03  }
0x73: {  	[timem:s3], [sflag:s2] =	dma.local @!p0 [hbm:s0], s1  }
0x74: {  	s0 =	simm.s32 @!p0 $0x3  }
0x75: {  	_ =	swait.ge @!p0 [sflag:s0], s1  }
0x76: {  	s1 =	ssub.s32 @!p0 $0x0, s1;
	[sflag:s0] =	ssyncset.done @!p0 $0x0  }
0x77: {  	[sflag:s0] =	ssyncadd.s32 @!p0 s1  }
0x78: {  	[bflag:$0x3] =	sbarrier.arrive $0xFFFF  }
0x79: {  	_ =	shalt  }

// kernel: kernel.9.cloned.1.call-start
scs
__scs_entry_jumppad:
0x0: {  	(pc) =	sbr.rel $0x88, $3  }
0x1: {  	(tag) =	ssettag $0x0;
	lr =	simm.s32 $0x1  }
0x2: {  	[smem:$0x3F98] =	sst lr;
	_ =	strace $0xD0000000  }
0x3: {  	_ = 	snop  }
0x4: {  	_ = 	snop  }
0x5: {  	_ = 	snop  }
0x6: {  	_ = 	snop  }
0x7: {  	_ = 	snop  }
__scs_overlays_trampoline_lowered:
0x8: {  	[smem:$0x3FA7] =	sst s0  }
0x9: {  	[smem:$0x3FA8] =	sst s1  }
0xa: {  	[smem:$0x3FA9] =	sst s2  }
0xb: {  	[smem:$0x3FAA] =	sst s3  }
0xc: {  	[smem:$0x3FAB] =	sst s4  }
0xd: {  	[smem:$0x3FAC] =	sst s5  }
0xe: {  	[smem:$0x3FAD] =	sst s6  }
0xf: {  	[smem:$0x3FAE] =	sst s7  }
0x10: {  	[smem:$0x3FAF] =	sst s8  }
0x11: {  	[smem:$0x3FB0] =	sst s9;
	s0 =	simm.s32 @!p0 $0x0  }
0x12: {  	s1 =	sld [smem:$0x3F96];
	s0 =	simm.s32 @p0 $0x1  }
0x13: {  	[smem:$0x3FB1] =	sst s0;
	s0 =	simm.s32 @!p1 $0x0  }
0x14: {  	s2 =	sld [smem:$0x3F95];
	s0 =	simm.s32 @p1 $0x1  }
0x15: {  	[smem:$0x3FB2] =	sst s0;
	s0 =	simm.s32 @!p2 $0x0  }
0x16: {  	s3 =	sld [smem:$0x3FDB];
	s0 =	simm.s32 @p2 $0x1  }
0x17: {  	s4 =	simm.s32 $0x1BF5;
	[smem:$0x3FB4] =	sst s0  }
0x18: {  	s0 =	sld [smem:$0x3F97];
	_ =	swait.ge [sflag:s4], $0x0  }
0x19: {  	s7 =	sld [smem:$0x3F98]  }
0x1a: {  	s8 =	sadd.s32 $0xFFFFE003, lr  }
0x1b: {  	s9 =	sadd.s32 $0xFFFFFEF7, lr;
	s5 =	simm.s32 $0xFFFFFFFF;
	p2 =	slt.u32 s8, $0xFFFFF086  }
0x1c: {  	p1 =	slt.u32 s9, $0xF7A;
	s5 =	simm.s32 @!p2 $0x0  }
0x1d: {  	s5 =	simm.s32 @p1 $0x1;
	p0 =	seq.s32 s7, s2  }
0x1e: {  	s7 =	smul.u32 @!p0 $0xF7A, s2;
	p2 =	seq.s32 @!p0 s5, $0x0  }
0x1f: {  	s9 =	smul.u32 $0xF7A, s1;
	s8 =	simm.s32 @!p0 $0x1BF5;
	p2 =	por !p2, p0  }
0x20: {  	[sflag:s8] =	ssyncset.s32 @!p0 $0xFFFFF086;
	s6 =	sadd.s32 @!p0 s3, s7;
	s7 =	simm.s32 @!p0 $0x108  }
0x21: {  	s3 =	sadd.s32 s3, s9;
	s6 =	sadd.s32 @!p0 $0x88, s6;
	s7 =	simm.s32 @p2 $0x1082  }
0x22: {  	[simem:s7], [sflag:s8] =	dma.local @!p0 [hbm:s6], $0xF7A  }
0x23: {  	s9 =	sor.u32 $0xD0000000, s2;
	s6 =	simm.s32 $0x108;
	_ =	swait.ge @!p0 [sflag:s8], $0x0  }
0x24: {  	s3 =	sadd.s32 $0x88, s3;
	s6 =	simm.s32 @!p1 $0x1082;
	[sflag:s4] =	ssyncset.s32 $0xFFFFF086  }
0x25: {  	[simem:s6], [sflag:s4] =	dma.local [hbm:s3], $0xF7A  }
0x26: {  	[smem:$0x3F98] =	sst s1;
	(tag) =	ssettag s2;
	_ =	strace s9  }
0x27: {  	s1 =	sld [smem:$0x3FA8]  }
0x28: {  	s2 =	sld [smem:$0x3FA9]  }
0x29: {  	s4 =	sld [smem:$0x3FAB]  }
0x2a: {  	p0 =	seq.s32 s5, $0x0;
	s5 =	sld [smem:$0x3FAC]  }
0x2b: {  	s6 =	sld [smem:$0x3FAD]  }
0x2c: {  	s7 =	sld [smem:$0x3FAE]  }
0x2d: {  	s3 =	simm.s32 $0x108;
	s8 =	sld [smem:$0x3FAF]  }
0x2e: {  	s3 =	simm.s32 @!p0 $0x1082;
	s9 =	sld [smem:$0x3FB0]  }
0x2f: {  	lr =	sadd.s32 s0, s3;
	s0 =	sld [smem:$0x3FA7]  }
0x30: {  	s3 =	sld [smem:$0x3FAA]  }
0x31: {  	[smem:$0x3FB3] =	sst s10  }
0x32: {  	s10 =	sld [smem:$0x3FB1];
	_ =	sdelay $0x3  }
0x33: {  	p0 =	seq.s32 s10, $0x1;
	s10 =	sld [smem:$0x3FB3];
	_ =	sdelay $0x3  }
0x34: {  	[smem:$0x3FB3] =	sst s10  }
0x35: {  	s10 =	sld [smem:$0x3FB2];
	_ =	sdelay $0x3  }
0x36: {  	p1 =	seq.s32 s10, $0x1;
	s10 =	sld [smem:$0x3FB3];
	_ =	sdelay $0x3  }
0x37: {  	[smem:$0x3FB3] =	sst s10  }
0x38: {  	s10 =	sld [smem:$0x3FB4]  }
0x39: {  	_ = 	snop;
	(pc) =	sbr.ind lr, $3  }
0x3a: {  	_ = 	snop  }
0x3b: {  	_ = 	snop  }
0x3c: {  	p2 =	seq.s32 s10, $0x1;
	s10 =	sld [smem:$0x3FB3]  }
0x3d: {  	_ =	shalt  }
0x3e: {  	_ =	shalt  }
0x3f: {  	_ =	shalt  }
0x40: {  	_ =	shalt  }
0x41: {  	_ =	shalt  }
0x42: {  	_ =	shalt  }
0x43: {  	_ =	shalt  }
0x44: {  	_ =	shalt  }
0x45: {  	_ =	shalt  }
0x46: {  	_ =	shalt  }
0x47: {  	_ =	shalt  }
0x48: {  	_ =	shalt  }
0x49: {  	_ =	shalt  }
0x4a: {  	_ =	shalt  }
0x4b: {  	_ =	shalt  }
0x4c: {  	_ =	shalt  }
0x4d: {  	_ =	shalt  }
0x4e: {  	_ =	shalt  }
0x4f: {  	_ =	shalt  }
0x50: {  	_ =	shalt  }
0x51: {  	_ =	shalt  }
0x52: {  	_ =	shalt  }
0x53: {  	_ =	shalt  }
0x54: {  	_ =	shalt  }
0x55: {  	_ =	shalt  }
0x56: {  	_ =	shalt  }
0x57: {  	_ =	shalt  }
0x58: {  	_ =	shalt  }
0x59: {  	_ =	shalt  }
0x5a: {  	_ =	shalt  }
0x5b: {  	_ =	shalt  }
0x5c: {  	_ =	shalt  }
0x5d: {  	_ =	shalt  }
0x5e: {  	_ =	shalt  }
0x5f: {  	_ =	shalt  }
0x60: {  	_ =	shalt  }
0x61: {  	_ =	shalt  }
0x62: {  	_ =	shalt  }
0x63: {  	_ =	shalt  }
0x64: {  	_ =	shalt  }
0x65: {  	_ =	shalt  }
0x66: {  	_ =	shalt  }
0x67: {  	_ =	shalt  }
0x68: {  	_ =	shalt  }
0x69: {  	_ =	shalt  }
0x6a: {  	_ =	shalt  }
0x6b: {  	_ =	shalt  }
0x6c: {  	_ =	shalt  }
0x6d: {  	_ =	shalt  }
0x6e: {  	_ =	shalt  }
0x6f: {  	_ =	shalt  }
0x70: {  	_ =	shalt  }
0x71: {  	_ =	shalt  }
0x72: {  	_ =	shalt  }
0x73: {  	_ =	shalt  }
0x74: {  	_ =	shalt  }
0x75: {  	_ =	shalt  }
0x76: {  	_ =	shalt  }
0x77: {  	_ =	shalt  }
0x78: {  	_ =	shalt  }
0x79: {  	_ =	shalt  }
0x7a: {  	_ =	shalt  }
0x7b: {  	_ =	shalt  }
0x7c: {  	_ =	shalt  }
0x7d: {  	_ =	shalt  }
0x7e: {  	_ =	shalt  }
0x7f: {  	_ =	shalt  }
0x80: {  	_ =	shalt  }
0x81: {  	_ =	shalt  }
0x82: {  	_ =	shalt  }
0x83: {  	_ =	shalt  }
0x84: {  	_ =	shalt  }
0x85: {  	_ =	shalt  }
0x86: {  	_ =	shalt  }
0x87: {  	_ =	shalt  }
.Lfunc_end0:
.L_simem_size_0:
called_computation_lowered:
.L_overlay_start_0:
0x88: {  	s2 =	sld [smem:$0x3FD9]  }
0x89: {  	s3 =	sld [smem:$0x3FFE];
	_ =	sdelay $0x1  }
0x8a: {  	s1 =	srdreg.scid  }
0x8b: {  	s0 =	sand.u32 $0x1, s1  }
0x8c: {  	s16 =	sshll.u32 s0, $0xA;
	s2 =	sadd.s32 s3, s2  }
0x8d: {  	s2 =	sadd.s32 s2, s16  }
0x8e: {  	[smem:$0x3FBF] =	sst s2  }
0x8f: {  	_ = 	snop  }
0x90: {  	(tm) =	ssettm $0x1  }
0x91: {  	s17 =	sld [smem:$0x3FFB];
	_ =	sdelay $0x3  }
0x92: {  	_ =	strace s17  }
0x93: {  	s2 =	sld [smem:$0x3FFC];
	_ =	sdelay $0x3  }
0x94: {  	_ =	strace s2  }
0x95: {  	s2 =	sld [smem:$0x3FFD];
	_ =	sdelay $0x3  }
0x96: {  	_ =	strace s2  }
0x97: {  	_ =	strace $0x8FFFFFFF  }
0x98: {  	s18 =	sld [smem:$0x3FDB];
	_ =	sdelay $0x1  }
0x99: {  	s19 =	simm.s32 $_scs_section_size  }
0x9a: {  	s4 =	simm.s32 $_size__tile_overlayer_lowered;
	s5 =	simm.s32 $_tile_overlayer_lowered  }
0x9b: {  	s22 =	simm.s32 $0x1BFF;
	s21 =	sshll.u32 s5, $0x1;
	s2 =	sadd.s32 s19, s18  }
0x9c: {  	s6 =	simm.s32 $0x0;
	s20 =	sshll.u32 s4, $0x1;
	s4 =	sadd.s32 s21, s2  }
0x9d: {  	[timem:s6], [sflag:s22] =	dma.local [hbm:s4], s20  }
0x9e: {  	_ =	swait.ge [sflag:s22], s20  }
0x9f: {  	s3 =	ssub.s32 $0x0, s20;
	[sflag:s22] =	ssyncset.done $0x0  }
0xa0: {  	[sflag:s22] =	ssyncadd.s32 s3;
	_ =	sdelay $0x1  }
0xa1: {  	s23 =	simm.s32 $0x1B8B  }
0xa2: {  	_ =	swait.ge [sflag:s23], $0x1  }
0xa3: {  	[sflag:s23] =	ssyncset.done $0x0  }
0xa4: {  	s25 =	simm.s32 $0x1B8E;
	s24 =	sld [smem:$0x3FFE];
	[sflag:s23] =	ssyncadd.s32 $0xFFFFFFFF  }
0xa5: {  	s26 =	simm.s32 $execute0_lowered;
	[smem:$0x3FD2] =	sst s25  }
0xa6: {  	s4 =	sshll.u32 s26, $0x1;
	_ =	strace $0x80000046;
	[dreg:$0x1] =	wrdreg $0xFFFFFFFF  }
0xa7: {  	s28 =	simm.s32 $_size_execute0_lowered;
	s2 =	sadd.s32 s2, s4;
	[dreg:$0x0] =	wrdreg $0x0  }
0xa8: {  	s4 =	sshll.u32 s28, $0x1;
	[dreg:$0x2] =	wrdreg s2  }
0xa9: {  	[dreg:$0x3] =	wrdreg s4  }
0xaa: {  	[dreg:$0x4] =	wrdreg $0xC0  }
0xab: {  	_ =	task [dreg:s6], $0x5FFFF  }
0xac: {  	[dreg:$0x1] =	wrdreg $0xFFFFFFFF  }
0xad: {  	[dreg:$0x0] =	wrdreg $0x60  }
0xae: {  	[dreg:$0x2] =	wrdreg s24  }
0xaf: {  	[dreg:$0x3] =	wrdreg $0x68000  }
0xb0: {  	[dreg:$0x4] =	wrdreg $0x9  }
0xb1: {  	_ =	task.clear_ibuf [dreg:s6], $0x5FFFF;
	_ =	strace $0x90000046  }
0xb2: {  	s29 =	simm.s32 $0x9;
	_ =	strace $0x80000048  }
0xb3: {  	_ =	swait.ge [sflag:s29], $0x1  }
0xb4: {  	[sflag:s29] =	ssyncadd.s32 $0xFFFFFFFF  }
0xb5: {  	_ =	strace $0x90000048  }
0xb6: {  	_ =	sfence  }
0xb7: {  	s30 =	sld [smem:$0x0];
	_ =	sdelay $0x2  }
0xb8: {  	s31 =	sshll.u32 s1, $0xD;
	s1 =	sshrl.u32 s1, $0x2  }
0xb9: {  	s3 =	sand.u32 $0x4000, s31;
	s1 =	sadd.s32 s1, s30  }
0xba: {  	s0 =	sor.u32 s3, s0;
	s1 =	sshll.u32 s1, $0x11  }
0xbb: {  	s0 =	sor.u32 s1, s0  }
0xbc: {  	s0 =	sadd.s32 $0x8F2B, s0  }
0xbd: {  	[sflag:s0] =	ssyncadd.remote.s32 $0x1  }
0xbe: {  	_ =	sfence.sel $0xFFFF  }
0xbf: {  	[dreg:$0x0] =	wrdreg $0xFFFFFFFF;
	(pc) =	sbr.abs _section_cstart, $3  }
0xc0: {  	[dreg:$0x1] =	wrdreg $0xFFFFFFFF  }
0xc1: {  	_ =	task.clear_ibuf [dreg:s6], $0x2FFFF;
	_ =	strace $0x9FFFFFFF  }
0xc2: {  	(tm) =	ssettm $0x7FFFFFFF  }
0xc3: {  	_ =	shalt  }
tec
execute0_lowered:
.L_overlay_start_1:
0x0: {  	(tag) =	ssettag $0x1  }
0x1: {  	s6 =	rddreg [dreg:$0x0]  }
0x2: {  	s0 =	srdreg.scid;
	s2 =	rddreg [dreg:$0x1]  }
0x3: {  	s3 =	simm.s32 $0x0;
	s5 =	sand.u32 $0x1, s0;
	s0 =	stileid.u32  }
0x4: {  	s13 =	simm.s32 $0x80;
	s14 =	simm.s32 $0x0;
	s7 =	smul.u32 $0x2800, s0  }
0x5: {  	[smem:$0x7FF] =	sst s3;
	s1 =	sshll.u32 s5, $0x4;
	s9 =	smul.u32 $0x28000, s5  }
0x6: {  	s5 =	ssub.s32 $0x2, s5;
	s10 =	smul.u32 $0x50000, s0;
	s31 =	sshll.u32 s0, $0x6  }
0x7: {  	s4 =	sor.u32 s0, s1;
	s1 =	rddreg [dreg:$0x2];
	_ =	strace $0x80000047  }
0x8: {  	s29 =	sshrl.u32 s5, $0x1;
	s4 =	smul.u32 $0x500, s4;
	s11 =	sadd.s32 s7, s6  }
0x9: {  	s7 =	sadd.s32 s7, s9;
	s9 =	ssub.s32 s5, s29;
	s30 =	sshrl.u32 s10, $0x2  }
0xa: {  	s10 =	simm.s32 $0x4000;
	s7 =	sadd.s32 s7, s6;
	s12 =	sadd.s32 s30, s2  }
0xb: {  	s8 =	sadd.s32 s4, s6;
	s4 =	sadd.s32 $0x35000, s6;
	s6 =	sadd.s32 $0xD000, s11  }
0xc: {  	s7 =	sadd.s32 $0x35800, s7;
	s11 =	sor.u32 $0x1C01, s31;
	s12 =	sshrl.u32 s12, $0x3  }
0xd: {  	s5 =	sadd.s32 $0x3000, s8;
	s8 =	smax.u32 s9, $0x1;
	s9 =	simm.s32 $0x1  }
.LBB2_1:
0xe: {  	[tilespmem:s3], [sflag:$0x1] =	stream.linear.gather [hbm4b:s4+s3], $0x4000, $0x38;
	[tilespmem:$0x1A800] =	vst v63  }
0xf: {  	_ =	swait.ge [sflag:s9], $0x4000  }
0x10: {  	[sflag:s9] =	ssyncset.done $0x0  }
0x11: {  	[sflag:s9] =	ssyncadd.s32 $0xFFFFC000  }
0x12: {  	[tilespmem:s10], [sflag:$0x1] =	stream.linear.gather [hbm4b:s5+s3], $0x2800, $0x38;
	[tilespmem:$0x1A800] =	vst v63  }
0x13: {  	_ =	swait.ge [sflag:s9], $0x2800  }
0x14: {  	[sflag:s9] =	ssyncset.done $0x0  }
0x15: {  	[sflag:s9] =	ssyncadd.s32 $0xFFFFD800  }
0x16: {  	[spmem:s12], [sflag:s11] =	dma.local [hbm:s6], $0x2800  }
0x17: {  	_ =	swait.ge [sflag:s9], $0x2800  }
0x18: {  	[sflag:s9] =	ssyncset.done $0x0  }
0x19: {  	[sflag:s9] =	ssyncadd.s32 $0xFFFFD800  }
0x1a: {  	s15 =	simm.s32 $0x4000;
	[bflag:$0x0] =	sbarrier.arrive $0xFFFF  }
0x1b: {  	[spmem:s2] =	stream.indirect.scatter.add.f32 [tilespmem:s3], [sflag:$0x1], $0x80, s15, s13, $0xb8;
	[tilespmem:$0x1A800] =	vst v63  }
0x1c: {  	s15 =	simm.s32 $0x200;
	_ =	swait.ge [sflag:s9], $0x4000  }
.LBB2_2:
0x1d: {  	s16 =	sshra.s32 s15, $0x2;
	[sflag:s9] =	ssyncset.done $0x0;
	p0 =	sne.s32 s15, $0x9E00  }
.Ltmp0:
0x1e: {  	s16 =	sadd.s32 $0x4000, s16;
	[sflag:s9] =	ssyncadd.s32 $0xFFFFC000;
	(pc) =	sbr.rel @p0 .LBB2_2-.Ltmp0, $3  }
0x1f: {  	[spmem:s2] =	stream.indirect.scatter.add.f32 [tilespmem:s3], [sflag:$0x1], $0x80, s16, s13, $0xb8;
	[tilespmem:$0x1A800] =	vst v63  }
0x20: {  	s15 =	sadd.s32 $0x200, s15;
	_ =	sdelay $0x1  }
0x21: {  	_ =	swait.ge [sflag:s9], $0x4000  }
0x22: {  	[sflag:s9] =	ssyncset.done $0x0;
	s14 =	sadd.s32 $0x1, s14  }
0x23: {  	[sflag:s9] =	ssyncadd.s32 $0xFFFFC000;
	p0 =	sne.s32 s14, s8  }
.Ltmp1:
0x24: {  	[bflag:$0x0] =	sbarrier.arrive $0xFFFF;
	(pc) =	sbr.rel @p0 .LBB2_1-.Ltmp1, $4  }
0x25: {  	[hbm:s7], [sflag:s11] =	dma.local [spmem:s12], $0x2800  }
0x26: {  	_ =	swait.ge [sflag:s9], $0x2800  }
0x27: {  	[sflag:s9] =	ssyncset.done $0x0  }
0x28: {  	[sflag:s9] =	ssyncadd.s32 $0xFFFFD800  }
0x29: {  	_ =	sfence.sel $0x180000  }
0x2a: {  	[bflag:$0x0] =	sbarrier.arrive $0xFFFF  }
0x2b: {  	p0 =	sne.s32 s0, $0x0;
	_ =	strace $0x90000047  }
0x2c: {  	s0 =	sadd.s32 @!p0 $0x100000, s1;
	[bflag:$0x2] =	sbarrier.arrive $0xFFFF  }
0x2d: {  	[sflag:s0] =	ssyncadd.tile.s32 @!p0 $0x1;
	_ =	shalt  }
.Lfunc_end2:
_tile_overlayer_lowered:
.L_overlay_start_2:
0x2e: {  	(tag) =	ssettag $0x2  }
0x2f: {  	s0 =	rddreg [dreg:$0x0];
	s2 =	stileid.u32  }
0x30: {  	s1 =	rddreg [dreg:$0x1];
	p0 =	sne.s32 s2, $0x0  }
0x31: {  	s3 =	rddreg [dreg:$0x2];
	[bflag:$0x3] =	sbarrier.arrive $0xFFFF;
	s2 =	simm.s32 @!p0 $0x1C01  }
0x32: {  	[timem:s3], [sflag:s2] =	dma.local @!p0 [hbm:s0], s1  }
0x33: {  	s0 =	simm.s32 @!p0 $0x1  }
0x34: {  	_ =	swait.ge @!p0 [sflag:s0], s1  }
0x35: {  	s1 =	ssub.s32 @!p0 $0x0, s1;
	[sflag:s0] =	ssyncset.done @!p0 $0x0  }
0x36: {  	[sflag:s0] =	ssyncadd.s32 @!p0 s1  }
0x37: {  	[bflag:$0x3] =	sbarrier.arrive $0xFFFF  }
0x38: {  	_ =	shalt  }

</sc_bundles>
